<compile_context>
chip_gen: v7x
topology: tpu7x:2x2x1
jax: 0.10.2.dev20260603
libtpu: 0.0.44.dev20260713+nightly
codegen_flags: <defaults>
</compile_context>

<pallas_src>
import functools

import jax
import jax.numpy as jnp
from jax import lax
from jax.experimental import pallas as pl
from jax.experimental.pallas import tpu as pltpu
from jax.experimental.pallas import tpu_sc as plsc

VOCAB = 100000
B = 4096
S = 200
D = 64
NC, NS = 2, 16
NW = NC * NS
BB = 128
NB = B // BB
LANES = 16
DT = D // 8
OPAD = BB + 1


def kernel(x, token_table, pos_table):
    xt3 = x.astype(jnp.int32).T.reshape(S, NB, BB)
    mesh = plsc.VectorSubcoreMesh(core_axis_name="c", subcore_axis_name="s")

    @functools.partial(
        pl.kernel,
        out_type=jax.ShapeDtypeStruct((S, DT, NB, 8, BB), jnp.float32),
        mesh=mesh,
        compiler_params=pltpu.CompilerParams(use_tc_tiling_on_sc=False,
                                             needs_layout_passes=False),
        scratch_types=[
            pltpu.VMEM((S, BB), jnp.int32),
            pltpu.VMEM((S, D), jnp.float32),
            pltpu.VMEM((BB, D), jnp.float32),
            pltpu.VMEM((BB, D), jnp.float32),
            pltpu.VMEM((BB, D), jnp.float32),
            pltpu.VMEM((BB, D), jnp.float32),
            pltpu.VMEM((DT, 8, OPAD), jnp.float32),
            pltpu.VMEM((DT, 8, OPAD), jnp.float32),
            pltpu.VMEM((DT, 8, OPAD), jnp.float32),
            pltpu.VMEM((DT, 8, OPAD), jnp.float32),
            pltpu.SemaphoreType.DMA,
            pltpu.SemaphoreType.DMA,
            pltpu.SemaphoreType.DMA,
            pltpu.SemaphoreType.DMA,
            pltpu.SemaphoreType.DMA,
            pltpu.SemaphoreType.DMA,
            pltpu.SemaphoreType.DMA,
            pltpu.SemaphoreType.DMA,
        ],
    )
    def run(x_ref, tok_ref, pos_ref, out_ref,
            idx_v, pos_v, tok_v0, tok_v1, tok_v2, tok_v3,
            out_v0, out_v1, out_v2, out_v3,
            gsem0, gsem1, gsem2, gsem3, osem0, osem1, osem2, osem3):
        tok_v = (tok_v0, tok_v1, tok_v2, tok_v3)
        out_v = (out_v0, out_v1, out_v2, out_v3)
        gsem = (gsem0, gsem1, gsem2, gsem3)
        osem = (osem0, osem1, osem2, osem3)
        NBUF = 4

        wid = lax.axis_index("s") * NC + lax.axis_index("c")
        pltpu.sync_copy(pos_ref, pos_v)
        pltpu.sync_copy(x_ref.at[:, wid], idx_v)
        iota = lax.iota(jnp.int32, LANES)
        dt_c = [(iota + dg * LANES) // 8 for dg in range(D // LANES)]
        dr_c = [(iota + dg * LANES) % 8 for dg in range(D // LANES)]

        def wb_start(s, b):
            pltpu.async_copy(out_v[b].at[:, :, pl.ds(0, BB)],
                             out_ref.at[s, :, wid], osem[b])

        def wb_wait(s, b):
            pltpu.make_async_copy(out_v[b].at[:, :, pl.ds(0, BB)],
                                  out_ref.at[s, :, wid], osem[b]).wait()

        for b in range(NBUF):
            pltpu.async_copy(tok_ref.at[idx_v.at[b]], tok_v[b], gsem[b])

        @pl.loop(0, S, step=NBUF)
        def _pair(sp):
            for b in range(NBUF):
                s = sp + b
                pltpu.make_async_copy(tok_ref.at[idx_v.at[s]], tok_v[b],
                                      gsem[b]).wait()

                @pl.when(s >= NBUF)
                def _():
                    wb_wait(s - NBUF, b)

                pos_c = [pos_v[s, pl.ds(dg * LANES, LANES)]
                         for dg in range(D // LANES)]

                @plsc.parallel_loop(0, BB, unroll=4)
                def _row(bb):
                    cols = jnp.full((LANES,), bb, jnp.int32)
                    for dg in range(D // LANES):
                        vals = tok_v[b][bb, pl.ds(dg * LANES, LANES)]
                        plsc.store_scatter(out_v[b], [dt_c[dg], dr_c[dg], cols],
                                           vals + pos_c[dg])

                wb_start(s, b)

                @pl.when(s + NBUF < S)
                def _():
                    pltpu.async_copy(tok_ref.at[idx_v.at[s + NBUF]], tok_v[b],
                                     gsem[b])

        for b in range(NBUF):
            wb_wait(S - NBUF + b, b)

    out5 = run(xt3, token_table, pos_table)
    return out5.transpose(2, 4, 0, 1, 3).reshape(B, S, D)

# --- scband reference (transcript-rebuilt; emitter-appended) ---
"""Pipeline reference for scband-token-and-position-embedding-58205396795487 (READ-ONLY COPY).

The authoritative reference and input builder live on the scoring server;
editing this copy changes nothing except your own understanding.
"""

import jax, jax.numpy as jnp
import numpy as np

VOCAB = 100000
MAXLEN = 200
EMBED_DIM = 64
BATCH = 4096
SEQ = 200


def setup_inputs(seed: int = 0) -> dict:
    key = jax.random.key(seed)
    k1, k2, k3 = jax.random.split(key, 3)
    x = jax.random.randint(k1, (BATCH, SEQ), 0, VOCAB, dtype=jnp.int64 if jax.config.jax_enable_x64 else jnp.int32)
    token_table = jax.random.normal(k2, (VOCAB, EMBED_DIM), dtype=jnp.float32) * 0.02
    pos_table = jax.random.normal(k3, (MAXLEN, EMBED_DIM), dtype=jnp.float32) * 0.02
    return {"x": x, "token_table": token_table, "pos_table": pos_table}


def reference(x, token_table, pos_table):
    # TokenAndPositionEmbedding.call:
    #   positions = range(0, seq_len); pos_emb(positions); token_emb(x); sum
    seq_len = x.shape[-1]
    positions = jnp.arange(0, seq_len)
    pos = jnp.take(pos_table, positions, axis=0)          # [S, D]
    tok = jnp.take(token_table, x, axis=0)                # [B, S, D]
    return tok + pos[None, :, :]

if __name__ == "__main__":
    import jax
    _d = setup_inputs()
    print(jax.jit(kernel)(*tuple(_d.values())))

</pallas_src>

<mosaic_0001>
#map = affine_map<(d0, d1) -> (0, 0, 0)>
#map1 = affine_map<(d0, d1) -> (0, 0)>
#map2 = affine_map<(d0, d1) -> (0, 0, 0, 0, 0)>
module attributes {stable_mosaic.version = 14 : i64} {
  func.func @run(%arg0: i32, %arg1: i32, %arg2: memref<200x32x128xi32, #tpu.memory_space<hbm>>, %arg3: memref<100000x64xf32, #tpu.memory_space<hbm>>, %arg4: memref<200x64xf32, #tpu.memory_space<hbm>>, %arg5: memref<200x8x32x8x128xf32, #tpu.memory_space<hbm>>, %arg6: memref<200x128xi32, #tpu.memory_space<vmem>>, %arg7: memref<200x64xf32, #tpu.memory_space<vmem>>, %arg8: memref<128x64xf32, #tpu.memory_space<vmem>>, %arg9: memref<128x64xf32, #tpu.memory_space<vmem>>, %arg10: memref<128x64xf32, #tpu.memory_space<vmem>>, %arg11: memref<128x64xf32, #tpu.memory_space<vmem>>, %arg12: memref<8x8x129xf32, #tpu.memory_space<vmem>>, %arg13: memref<8x8x129xf32, #tpu.memory_space<vmem>>, %arg14: memref<8x8x129xf32, #tpu.memory_space<vmem>>, %arg15: memref<8x8x129xf32, #tpu.memory_space<vmem>>, %arg16: memref<!tpu.dma_semaphore, #tpu.memory_space<semaphore_mem>>, %arg17: memref<!tpu.dma_semaphore, #tpu.memory_space<semaphore_mem>>, %arg18: memref<!tpu.dma_semaphore, #tpu.memory_space<semaphore_mem>>, %arg19: memref<!tpu.dma_semaphore, #tpu.memory_space<semaphore_mem>>, %arg20: memref<!tpu.dma_semaphore, #tpu.memory_space<semaphore_mem>>, %arg21: memref<!tpu.dma_semaphore, #tpu.memory_space<semaphore_mem>>, %arg22: memref<!tpu.dma_semaphore, #tpu.memory_space<semaphore_mem>>, %arg23: memref<!tpu.dma_semaphore, #tpu.memory_space<semaphore_mem>>) attributes {dimension_semantics = [#tpu.dimension_semantics<core_parallel>, #tpu.dimension_semantics<subcore_parallel>], iteration_bounds = array<i64: 2, 16>, scalar_prefetch = 0 : i64, scratch_operands = 18 : i64, tpu.core_type = #tpu.core_type<sc_vector_subcore>, window_params = [{transform_indices = #map}, {transform_indices = #map1}, {transform_indices = #map1}, {transform_indices = #map2}]} {
    %mul3A = arith.constant 2 : i32
    %mul3A_0 = arith.muli %arg1, %mul3A : i32
    %add3A = arith.addi %mul3A_0, %arg0 : i32
    "tpu.region"() ({
      %run_scoped3A = tpu.sem_alloc : memref<!tpu.dma_semaphore, #tpu.memory_space<semaphore_mem>>
      tpu.enqueue_dma source(%arg4 : memref<200x64xf32, #tpu.memory_space<hbm>>) target(%arg7 : memref<200x64xf32, #tpu.memory_space<vmem>>) target_semaphore(%run_scoped3A : memref<!tpu.dma_semaphore, #tpu.memory_space<semaphore_mem>>)
      tpu.wait_dma2 semaphore(%run_scoped3A : memref<!tpu.dma_semaphore, #tpu.memory_space<semaphore_mem>>) src(%arg4 : memref<200x64xf32, #tpu.memory_space<hbm>>) dst(%arg7 : memref<200x64xf32, #tpu.memory_space<vmem>>)
      tpu.yield
    }) : () -> ()
    "tpu.region"() ({
      %run_scoped3A = tpu.sem_alloc : memref<!tpu.dma_semaphore, #tpu.memory_space<semaphore_mem>>
      %dma_start3A_333 = arith.constant 0 : i32
      %dma_start3A_334 = arith.constant 0 : i32
      %dma_start3A_335 = tpu.memref_slice %arg2[%dma_start3A_333, %add3A, %dma_start3A_334] : memref<200x32x128xi32, #tpu.memory_space<hbm>> -> memref<200x1x128xi32, #tpu.memory_space<hbm>>
      %dma_start3A_336 = tpu.memref_squeeze %dma_start3A_335 : memref<200x1x128xi32, #tpu.memory_space<hbm>> -> memref<200x128xi32, #tpu.memory_space<hbm>>
      %dma_start3A_337 = arith.constant 0 : i32
      %dma_start3A_338 = arith.constant 0 : i32
      %dma_start3A_339 = tpu.memref_slice %arg2[%dma_start3A_337, %add3A, %dma_start3A_338] : memref<200x32x128xi32, #tpu.memory_space<hbm>> -> memref<200x1x128xi32, #tpu.memory_space<hbm>>
      %dma_start3A_340 = tpu.memref_squeeze %dma_start3A_339 : memref<200x1x128xi32, #tpu.memory_space<hbm>> -> memref<200x128xi32, #tpu.memory_space<hbm>>
      tpu.enqueue_dma source(%dma_start3A_340 : memref<200x128xi32, #tpu.memory_space<hbm>>) target(%arg6 : memref<200x128xi32, #tpu.memory_space<vmem>>) target_semaphore(%run_scoped3A : memref<!tpu.dma_semaphore, #tpu.memory_space<semaphore_mem>>)
      %dma_wait3A_341 = arith.constant 0 : i32
      %dma_wait3A_342 = arith.constant 0 : i32
      %dma_wait3A_343 = tpu.memref_slice %arg2[%dma_wait3A_341, %add3A, %dma_wait3A_342] : memref<200x32x128xi32, #tpu.memory_space<hbm>> -> memref<200x1x128xi32, #tpu.memory_space<hbm>>
      %dma_wait3A_344 = tpu.memref_squeeze %dma_wait3A_343 : memref<200x1x128xi32, #tpu.memory_space<hbm>> -> memref<200x128xi32, #tpu.memory_space<hbm>>
      %dma_wait3A_345 = arith.constant 0 : i32
      %dma_wait3A_346 = arith.constant 0 : i32
      %dma_wait3A_347 = tpu.memref_slice %arg2[%dma_wait3A_345, %add3A, %dma_wait3A_346] : memref<200x32x128xi32, #tpu.memory_space<hbm>> -> memref<200x1x128xi32, #tpu.memory_space<hbm>>
      %dma_wait3A_348 = tpu.memref_squeeze %dma_wait3A_347 : memref<200x1x128xi32, #tpu.memory_space<hbm>> -> memref<200x128xi32, #tpu.memory_space<hbm>>
      tpu.wait_dma2 semaphore(%run_scoped3A : memref<!tpu.dma_semaphore, #tpu.memory_space<semaphore_mem>>) src(%dma_wait3A_348 : memref<200x128xi32, #tpu.memory_space<hbm>>) dst(%arg6 : memref<200x128xi32, #tpu.memory_space<vmem>>)
      tpu.yield
    }) : () -> ()
    %iota3A = tpu.iota {dimensions = array<i32: 0>} : vector<16xi32>
    %add3A_1 = arith.constant 0 : i32
    %add3A_2 = vector.broadcast %add3A_1 : i32 to vector<16xi32>
    %add3A_3 = arith.addi %iota3A, %add3A_2 : vector<16xi32>
    %jit3A = arith.constant 8 : i32
    %div3A = vector.broadcast %jit3A : i32 to vector<16xi32>
    %div3A_4 = arith.divsi %add3A_3, %div3A : vector<16xi32>
    %sign3A = arith.constant 0 : i32
    %sign3A_5 = vector.broadcast %sign3A : i32 to vector<16xi32>
    %sign3A_6 = arith.cmpi sgt, %add3A_3, %sign3A_5 : vector<16xi32>
    %sign3A_7 = arith.extui %sign3A_6 : vector<16xi1> to vector<16xi32>
    %sign3A_8 = arith.constant 0 : i32
    %sign3A_9 = vector.broadcast %sign3A_8 : i32 to vector<16xi32>
    %sign3A_10 = arith.cmpi slt, %add3A_3, %sign3A_9 : vector<16xi32>
    %sign3A_11 = arith.extui %sign3A_10 : vector<16xi1> to vector<16xi32>
    %sign3A_12 = arith.subi %sign3A_7, %sign3A_11 : vector<16xi32>
    %sign3A_13 = arith.constant 0 : i32
    %sign3A_14 = arith.cmpi sgt, %jit3A, %sign3A_13 : i32
    %sign3A_15 = arith.extui %sign3A_14 : i1 to i32
    %sign3A_16 = arith.constant 0 : i32
    %sign3A_17 = arith.cmpi slt, %jit3A, %sign3A_16 : i32
    %sign3A_18 = arith.extui %sign3A_17 : i1 to i32
    %sign3A_19 = arith.subi %sign3A_15, %sign3A_18 : i32
    %ne3A = vector.broadcast %sign3A_19 : i32 to vector<16xi32>
    %ne3A_20 = arith.cmpi ne, %sign3A_12, %ne3A : vector<16xi32>
    %rem3A = vector.broadcast %jit3A : i32 to vector<16xi32>
    %rem3A_21 = arith.remsi %add3A_3, %rem3A : vector<16xi32>
    %ne3A_22 = arith.constant 0 : i32
    %ne3A_23 = vector.broadcast %ne3A_22 : i32 to vector<16xi32>
    %ne3A_24 = arith.cmpi ne, %rem3A_21, %ne3A_23 : vector<16xi32>
    %and3A = arith.andi %ne3A_20, %ne3A_24 : vector<16xi1>
    %sub3A = arith.constant 1 : i32
    %sub3A_25 = vector.broadcast %sub3A : i32 to vector<16xi32>
    %sub3A_26 = arith.subi %div3A_4, %sub3A_25 : vector<16xi32>
    %select_n3A = arith.select %and3A, %sub3A_26, %div3A_4 : vector<16xi1>, vector<16xi32>
    %add3A_27 = arith.constant 16 : i32
    %add3A_28 = vector.broadcast %add3A_27 : i32 to vector<16xi32>
    %add3A_29 = arith.addi %iota3A, %add3A_28 : vector<16xi32>
    %jit3A_30 = arith.constant 8 : i32
    %div3A_31 = vector.broadcast %jit3A_30 : i32 to vector<16xi32>
    %div3A_32 = arith.divsi %add3A_29, %div3A_31 : vector<16xi32>
    %sign3A_33 = arith.constant 0 : i32
    %sign3A_34 = vector.broadcast %sign3A_33 : i32 to vector<16xi32>
    %sign3A_35 = arith.cmpi sgt, %add3A_29, %sign3A_34 : vector<16xi32>
    %sign3A_36 = arith.extui %sign3A_35 : vector<16xi1> to vector<16xi32>
    %sign3A_37 = arith.constant 0 : i32
    %sign3A_38 = vector.broadcast %sign3A_37 : i32 to vector<16xi32>
    %sign3A_39 = arith.cmpi slt, %add3A_29, %sign3A_38 : vector<16xi32>
    %sign3A_40 = arith.extui %sign3A_39 : vector<16xi1> to vector<16xi32>
    %sign3A_41 = arith.subi %sign3A_36, %sign3A_40 : vector<16xi32>
    %sign3A_42 = arith.constant 0 : i32
    %sign3A_43 = arith.cmpi sgt, %jit3A_30, %sign3A_42 : i32
    %sign3A_44 = arith.extui %sign3A_43 : i1 to i32
    %sign3A_45 = arith.constant 0 : i32
    %sign3A_46 = arith.cmpi slt, %jit3A_30, %sign3A_45 : i32
    %sign3A_47 = arith.extui %sign3A_46 : i1 to i32
    %sign3A_48 = arith.subi %sign3A_44, %sign3A_47 : i32
    %ne3A_49 = vector.broadcast %sign3A_48 : i32 to vector<16xi32>
    %ne3A_50 = arith.cmpi ne, %sign3A_41, %ne3A_49 : vector<16xi32>
    %rem3A_51 = vector.broadcast %jit3A_30 : i32 to vector<16xi32>
    %rem3A_52 = arith.remsi %add3A_29, %rem3A_51 : vector<16xi32>
    %ne3A_53 = arith.constant 0 : i32
    %ne3A_54 = vector.broadcast %ne3A_53 : i32 to vector<16xi32>
    %ne3A_55 = arith.cmpi ne, %rem3A_52, %ne3A_54 : vector<16xi32>
    %and3A_56 = arith.andi %ne3A_50, %ne3A_55 : vector<16xi1>
    %sub3A_57 = arith.constant 1 : i32
    %sub3A_58 = vector.broadcast %sub3A_57 : i32 to vector<16xi32>
    %sub3A_59 = arith.subi %div3A_32, %sub3A_58 : vector<16xi32>
    %select_n3A_60 = arith.select %and3A_56, %sub3A_59, %div3A_32 : vector<16xi1>, vector<16xi32>
    %add3A_61 = arith.constant 32 : i32
    %add3A_62 = vector.broadcast %add3A_61 : i32 to vector<16xi32>
    %add3A_63 = arith.addi %iota3A, %add3A_62 : vector<16xi32>
    %jit3A_64 = arith.constant 8 : i32
    %div3A_65 = vector.broadcast %jit3A_64 : i32 to vector<16xi32>
    %div3A_66 = arith.divsi %add3A_63, %div3A_65 : vector<16xi32>
    %sign3A_67 = arith.constant 0 : i32
    %sign3A_68 = vector.broadcast %sign3A_67 : i32 to vector<16xi32>
    %sign3A_69 = arith.cmpi sgt, %add3A_63, %sign3A_68 : vector<16xi32>
    %sign3A_70 = arith.extui %sign3A_69 : vector<16xi1> to vector<16xi32>
    %sign3A_71 = arith.constant 0 : i32
    %sign3A_72 = vector.broadcast %sign3A_71 : i32 to vector<16xi32>
    %sign3A_73 = arith.cmpi slt, %add3A_63, %sign3A_72 : vector<16xi32>
    %sign3A_74 = arith.extui %sign3A_73 : vector<16xi1> to vector<16xi32>
    %sign3A_75 = arith.subi %sign3A_70, %sign3A_74 : vector<16xi32>
    %sign3A_76 = arith.constant 0 : i32
    %sign3A_77 = arith.cmpi sgt, %jit3A_64, %sign3A_76 : i32
    %sign3A_78 = arith.extui %sign3A_77 : i1 to i32
    %sign3A_79 = arith.constant 0 : i32
    %sign3A_80 = arith.cmpi slt, %jit3A_64, %sign3A_79 : i32
    %sign3A_81 = arith.extui %sign3A_80 : i1 to i32
    %sign3A_82 = arith.subi %sign3A_78, %sign3A_81 : i32
    %ne3A_83 = vector.broadcast %sign3A_82 : i32 to vector<16xi32>
    %ne3A_84 = arith.cmpi ne, %sign3A_75, %ne3A_83 : vector<16xi32>
    %rem3A_85 = vector.broadcast %jit3A_64 : i32 to vector<16xi32>
    %rem3A_86 = arith.remsi %add3A_63, %rem3A_85 : vector<16xi32>
    %ne3A_87 = arith.constant 0 : i32
    %ne3A_88 = vector.broadcast %ne3A_87 : i32 to vector<16xi32>
    %ne3A_89 = arith.cmpi ne, %rem3A_86, %ne3A_88 : vector<16xi32>
    %and3A_90 = arith.andi %ne3A_84, %ne3A_89 : vector<16xi1>
    %sub3A_91 = arith.constant 1 : i32
    %sub3A_92 = vector.broadcast %sub3A_91 : i32 to vector<16xi32>
    %sub3A_93 = arith.subi %div3A_66, %sub3A_92 : vector<16xi32>
    %select_n3A_94 = arith.select %and3A_90, %sub3A_93, %div3A_66 : vector<16xi1>, vector<16xi32>
    %add3A_95 = arith.constant 48 : i32
    %add3A_96 = vector.broadcast %add3A_95 : i32 to vector<16xi32>
    %add3A_97 = arith.addi %iota3A, %add3A_96 : vector<16xi32>
    %jit3A_98 = arith.constant 8 : i32
    %div3A_99 = vector.broadcast %jit3A_98 : i32 to vector<16xi32>
    %div3A_100 = arith.divsi %add3A_97, %div3A_99 : vector<16xi32>
    %sign3A_101 = arith.constant 0 : i32
    %sign3A_102 = vector.broadcast %sign3A_101 : i32 to vector<16xi32>
    %sign3A_103 = arith.cmpi sgt, %add3A_97, %sign3A_102 : vector<16xi32>
    %sign3A_104 = arith.extui %sign3A_103 : vector<16xi1> to vector<16xi32>
    %sign3A_105 = arith.constant 0 : i32
    %sign3A_106 = vector.broadcast %sign3A_105 : i32 to vector<16xi32>
    %sign3A_107 = arith.cmpi slt, %add3A_97, %sign3A_106 : vector<16xi32>
    %sign3A_108 = arith.extui %sign3A_107 : vector<16xi1> to vector<16xi32>
    %sign3A_109 = arith.subi %sign3A_104, %sign3A_108 : vector<16xi32>
    %sign3A_110 = arith.constant 0 : i32
    %sign3A_111 = arith.cmpi sgt, %jit3A_98, %sign3A_110 : i32
    %sign3A_112 = arith.extui %sign3A_111 : i1 to i32
    %sign3A_113 = arith.constant 0 : i32
    %sign3A_114 = arith.cmpi slt, %jit3A_98, %sign3A_113 : i32
    %sign3A_115 = arith.extui %sign3A_114 : i1 to i32
    %sign3A_116 = arith.subi %sign3A_112, %sign3A_115 : i32
    %ne3A_117 = vector.broadcast %sign3A_116 : i32 to vector<16xi32>
    %ne3A_118 = arith.cmpi ne, %sign3A_109, %ne3A_117 : vector<16xi32>
    %rem3A_119 = vector.broadcast %jit3A_98 : i32 to vector<16xi32>
    %rem3A_120 = arith.remsi %add3A_97, %rem3A_119 : vector<16xi32>
    %ne3A_121 = arith.constant 0 : i32
    %ne3A_122 = vector.broadcast %ne3A_121 : i32 to vector<16xi32>
    %ne3A_123 = arith.cmpi ne, %rem3A_120, %ne3A_122 : vector<16xi32>
    %and3A_124 = arith.andi %ne3A_118, %ne3A_123 : vector<16xi1>
    %sub3A_125 = arith.constant 1 : i32
    %sub3A_126 = vector.broadcast %sub3A_125 : i32 to vector<16xi32>
    %sub3A_127 = arith.subi %div3A_100, %sub3A_126 : vector<16xi32>
    %select_n3A_128 = arith.select %and3A_124, %sub3A_127, %div3A_100 : vector<16xi1>, vector<16xi32>
    %add3A_129 = arith.constant 0 : i32
    %add3A_130 = vector.broadcast %add3A_129 : i32 to vector<16xi32>
    %add3A_131 = arith.addi %iota3A, %add3A_130 : vector<16xi32>
    %jit3A_132 = arith.constant 8 : i32
    %eq3A = arith.constant 0 : i32
    %eq3A_133 = arith.cmpi eq, %jit3A_132, %eq3A : i32
    %jit3A_134 = arith.constant 1 : i32
    %select_n3A_135 = arith.select %eq3A_133, %jit3A_134, %jit3A_132 : i32
    %rem3A_136 = vector.broadcast %select_n3A_135 : i32 to vector<16xi32>
    %rem3A_137 = arith.remsi %add3A_131, %rem3A_136 : vector<16xi32>
    %ne3A_138 = arith.constant 0 : i32
    %ne3A_139 = vector.broadcast %ne3A_138 : i32 to vector<16xi32>
    %ne3A_140 = arith.cmpi ne, %rem3A_137, %ne3A_139 : vector<16xi32>
    %lt3A = arith.constant 0 : i32
    %lt3A_141 = vector.broadcast %lt3A : i32 to vector<16xi32>
    %lt3A_142 = arith.cmpi slt, %rem3A_137, %lt3A_141 : vector<16xi32>
    %lt3A_143 = arith.constant 0 : i32
    %lt3A_144 = arith.cmpi slt, %select_n3A_135, %lt3A_143 : i32
    %ne3A_145 = vector.broadcast %lt3A_144 : i1 to vector<16xi1>
    %ne3A_146 = vector.broadcast %ne3A_145 : vector<16xi1> to vector<16xi1>
    %ne3A_147 = arith.xori %lt3A_142, %ne3A_146 : vector<16xi1>
    %and3A_148 = arith.andi %ne3A_147, %ne3A_140 : vector<16xi1>
    %add3A_149 = vector.broadcast %select_n3A_135 : i32 to vector<16xi32>
    %add3A_150 = arith.addi %rem3A_137, %add3A_149 : vector<16xi32>
    %select_n3A_151 = arith.select %and3A_148, %add3A_150, %rem3A_137 : vector<16xi1>, vector<16xi32>
    %add3A_152 = arith.constant 16 : i32
    %add3A_153 = vector.broadcast %add3A_152 : i32 to vector<16xi32>
    %add3A_154 = arith.addi %iota3A, %add3A_153 : vector<16xi32>
    %jit3A_155 = arith.constant 8 : i32
    %eq3A_156 = arith.constant 0 : i32
    %eq3A_157 = arith.cmpi eq, %jit3A_155, %eq3A_156 : i32
    %jit3A_158 = arith.constant 1 : i32
    %select_n3A_159 = arith.select %eq3A_157, %jit3A_158, %jit3A_155 : i32
    %rem3A_160 = vector.broadcast %select_n3A_159 : i32 to vector<16xi32>
    %rem3A_161 = arith.remsi %add3A_154, %rem3A_160 : vector<16xi32>
    %ne3A_162 = arith.constant 0 : i32
    %ne3A_163 = vector.broadcast %ne3A_162 : i32 to vector<16xi32>
    %ne3A_164 = arith.cmpi ne, %rem3A_161, %ne3A_163 : vector<16xi32>
    %lt3A_165 = arith.constant 0 : i32
    %lt3A_166 = vector.broadcast %lt3A_165 : i32 to vector<16xi32>
    %lt3A_167 = arith.cmpi slt, %rem3A_161, %lt3A_166 : vector<16xi32>
    %lt3A_168 = arith.constant 0 : i32
    %lt3A_169 = arith.cmpi slt, %select_n3A_159, %lt3A_168 : i32
    %ne3A_170 = vector.broadcast %lt3A_169 : i1 to vector<16xi1>
    %ne3A_171 = vector.broadcast %ne3A_170 : vector<16xi1> to vector<16xi1>
    %ne3A_172 = arith.xori %lt3A_167, %ne3A_171 : vector<16xi1>
    %and3A_173 = arith.andi %ne3A_172, %ne3A_164 : vector<16xi1>
    %add3A_174 = vector.broadcast %select_n3A_159 : i32 to vector<16xi32>
    %add3A_175 = arith.addi %rem3A_161, %add3A_174 : vector<16xi32>
    %select_n3A_176 = arith.select %and3A_173, %add3A_175, %rem3A_161 : vector<16xi1>, vector<16xi32>
    %add3A_177 = arith.constant 32 : i32
    %add3A_178 = vector.broadcast %add3A_177 : i32 to vector<16xi32>
    %add3A_179 = arith.addi %iota3A, %add3A_178 : vector<16xi32>
    %jit3A_180 = arith.constant 8 : i32
    %eq3A_181 = arith.constant 0 : i32
    %eq3A_182 = arith.cmpi eq, %jit3A_180, %eq3A_181 : i32
    %jit3A_183 = arith.constant 1 : i32
    %select_n3A_184 = arith.select %eq3A_182, %jit3A_183, %jit3A_180 : i32
    %rem3A_185 = vector.broadcast %select_n3A_184 : i32 to vector<16xi32>
    %rem3A_186 = arith.remsi %add3A_179, %rem3A_185 : vector<16xi32>
    %ne3A_187 = arith.constant 0 : i32
    %ne3A_188 = vector.broadcast %ne3A_187 : i32 to vector<16xi32>
    %ne3A_189 = arith.cmpi ne, %rem3A_186, %ne3A_188 : vector<16xi32>
    %lt3A_190 = arith.constant 0 : i32
    %lt3A_191 = vector.broadcast %lt3A_190 : i32 to vector<16xi32>
    %lt3A_192 = arith.cmpi slt, %rem3A_186, %lt3A_191 : vector<16xi32>
    %lt3A_193 = arith.constant 0 : i32
    %lt3A_194 = arith.cmpi slt, %select_n3A_184, %lt3A_193 : i32
    %ne3A_195 = vector.broadcast %lt3A_194 : i1 to vector<16xi1>
    %ne3A_196 = vector.broadcast %ne3A_195 : vector<16xi1> to vector<16xi1>
    %ne3A_197 = arith.xori %lt3A_192, %ne3A_196 : vector<16xi1>
    %and3A_198 = arith.andi %ne3A_197, %ne3A_189 : vector<16xi1>
    %add3A_199 = vector.broadcast %select_n3A_184 : i32 to vector<16xi32>
    %add3A_200 = arith.addi %rem3A_186, %add3A_199 : vector<16xi32>
    %select_n3A_201 = arith.select %and3A_198, %add3A_200, %rem3A_186 : vector<16xi1>, vector<16xi32>
    %add3A_202 = arith.constant 48 : i32
    %add3A_203 = vector.broadcast %add3A_202 : i32 to vector<16xi32>
    %add3A_204 = arith.addi %iota3A, %add3A_203 : vector<16xi32>
    %jit3A_205 = arith.constant 8 : i32
    %eq3A_206 = arith.constant 0 : i32
    %eq3A_207 = arith.cmpi eq, %jit3A_205, %eq3A_206 : i32
    %jit3A_208 = arith.constant 1 : i32
    %select_n3A_209 = arith.select %eq3A_207, %jit3A_208, %jit3A_205 : i32
    %rem3A_210 = vector.broadcast %select_n3A_209 : i32 to vector<16xi32>
    %rem3A_211 = arith.remsi %add3A_204, %rem3A_210 : vector<16xi32>
    %ne3A_212 = arith.constant 0 : i32
    %ne3A_213 = vector.broadcast %ne3A_212 : i32 to vector<16xi32>
    %ne3A_214 = arith.cmpi ne, %rem3A_211, %ne3A_213 : vector<16xi32>
    %lt3A_215 = arith.constant 0 : i32
    %lt3A_216 = vector.broadcast %lt3A_215 : i32 to vector<16xi32>
    %lt3A_217 = arith.cmpi slt, %rem3A_211, %lt3A_216 : vector<16xi32>
    %lt3A_218 = arith.constant 0 : i32
    %lt3A_219 = arith.cmpi slt, %select_n3A_209, %lt3A_218 : i32
    %ne3A_220 = vector.broadcast %lt3A_219 : i1 to vector<16xi1>
    %ne3A_221 = vector.broadcast %ne3A_220 : vector<16xi1> to vector<16xi1>
    %ne3A_222 = arith.xori %lt3A_217, %ne3A_221 : vector<16xi1>
    %and3A_223 = arith.andi %ne3A_222, %ne3A_214 : vector<16xi1>
    %add3A_224 = vector.broadcast %select_n3A_209 : i32 to vector<16xi32>
    %add3A_225 = arith.addi %rem3A_211, %add3A_224 : vector<16xi32>
    %select_n3A_226 = arith.select %and3A_223, %add3A_225, %rem3A_211 : vector<16xi1>, vector<16xi32>
    %dma_start3A = arith.constant 0 : i32
    %dma_start3A_227 = arith.constant 0 : i32
    %dma_start3A_228 = tpu.memref_slice %arg6[%dma_start3A, %dma_start3A_227] : memref<200x128xi32, #tpu.memory_space<vmem>> -> memref<1x128xi32, #tpu.memory_space<vmem>>
    %dma_start3A_229 = tpu.memref_squeeze %dma_start3A_228 : memref<1x128xi32, #tpu.memory_space<vmem>> -> memref<128xi32, #tpu.memory_space<vmem>>
    %dma_start3A_230 = arith.constant 0 : i32
    %dma_start3A_231 = arith.constant 0 : i32
    %dma_start3A_232 = tpu.memref_slice %arg3[%dma_start3A_230, %dma_start3A_231] : memref<100000x64xf32, #tpu.memory_space<hbm>> -> memref<100000x64xf32, #tpu.memory_space<hbm>>
    tpu.enqueue_indirect_dma source(%dma_start3A_232 : memref<100000x64xf32, #tpu.memory_space<hbm>>) target(%arg8 : memref<128x64xf32, #tpu.memory_space<vmem>>) offsets(%dma_start3A_229 : memref<128xi32, #tpu.memory_space<vmem>>) semaphore(%arg16 : memref<!tpu.dma_semaphore, #tpu.memory_space<semaphore_mem>>)
    %dma_start3A_233 = arith.constant 1 : i32
    %dma_start3A_234 = arith.constant 0 : i32
    %dma_start3A_235 = tpu.memref_slice %arg6[%dma_start3A_233, %dma_start3A_234] : memref<200x128xi32, #tpu.memory_space<vmem>> -> memref<1x128xi32, #tpu.memory_space<vmem>>
    %dma_start3A_236 = tpu.memref_squeeze %dma_start3A_235 : memref<1x128xi32, #tpu.memory_space<vmem>> -> memref<128xi32, #tpu.memory_space<vmem>>
    %dma_start3A_237 = arith.constant 0 : i32
    %dma_start3A_238 = arith.constant 0 : i32
    %dma_start3A_239 = tpu.memref_slice %arg3[%dma_start3A_237, %dma_start3A_238] : memref<100000x64xf32, #tpu.memory_space<hbm>> -> memref<100000x64xf32, #tpu.memory_space<hbm>>
    tpu.enqueue_indirect_dma source(%dma_start3A_239 : memref<100000x64xf32, #tpu.memory_space<hbm>>) target(%arg9 : memref<128x64xf32, #tpu.memory_space<vmem>>) offsets(%dma_start3A_236 : memref<128xi32, #tpu.memory_space<vmem>>) semaphore(%arg17 : memref<!tpu.dma_semaphore, #tpu.memory_space<semaphore_mem>>)
    %dma_start3A_240 = arith.constant 2 : i32
    %dma_start3A_241 = arith.constant 0 : i32
    %dma_start3A_242 = tpu.memref_slice %arg6[%dma_start3A_240, %dma_start3A_241] : memref<200x128xi32, #tpu.memory_space<vmem>> -> memref<1x128xi32, #tpu.memory_space<vmem>>
    %dma_start3A_243 = tpu.memref_squeeze %dma_start3A_242 : memref<1x128xi32, #tpu.memory_space<vmem>> -> memref<128xi32, #tpu.memory_space<vmem>>
    %dma_start3A_244 = arith.constant 0 : i32
    %dma_start3A_245 = arith.constant 0 : i32
    %dma_start3A_246 = tpu.memref_slice %arg3[%dma_start3A_244, %dma_start3A_245] : memref<100000x64xf32, #tpu.memory_space<hbm>> -> memref<100000x64xf32, #tpu.memory_space<hbm>>
    tpu.enqueue_indirect_dma source(%dma_start3A_246 : memref<100000x64xf32, #tpu.memory_space<hbm>>) target(%arg10 : memref<128x64xf32, #tpu.memory_space<vmem>>) offsets(%dma_start3A_243 : memref<128xi32, #tpu.memory_space<vmem>>) semaphore(%arg18 : memref<!tpu.dma_semaphore, #tpu.memory_space<semaphore_mem>>)
    %dma_start3A_247 = arith.constant 3 : i32
    %dma_start3A_248 = arith.constant 0 : i32
    %dma_start3A_249 = tpu.memref_slice %arg6[%dma_start3A_247, %dma_start3A_248] : memref<200x128xi32, #tpu.memory_space<vmem>> -> memref<1x128xi32, #tpu.memory_space<vmem>>
    %dma_start3A_250 = tpu.memref_squeeze %dma_start3A_249 : memref<1x128xi32, #tpu.memory_space<vmem>> -> memref<128xi32, #tpu.memory_space<vmem>>
    %dma_start3A_251 = arith.constant 0 : i32
    %dma_start3A_252 = arith.constant 0 : i32
    %dma_start3A_253 = tpu.memref_slice %arg3[%dma_start3A_251, %dma_start3A_252] : memref<100000x64xf32, #tpu.memory_space<hbm>> -> memref<100000x64xf32, #tpu.memory_space<hbm>>
    tpu.enqueue_indirect_dma source(%dma_start3A_253 : memref<100000x64xf32, #tpu.memory_space<hbm>>) target(%arg11 : memref<128x64xf32, #tpu.memory_space<vmem>>) offsets(%dma_start3A_250 : memref<128xi32, #tpu.memory_space<vmem>>) semaphore(%arg19 : memref<!tpu.dma_semaphore, #tpu.memory_space<semaphore_mem>>)
    %scan3A = arith.constant 0 : i32
    %scan3A_254 = arith.constant 50 : i32
    %scan3A_255 = arith.addi %scan3A, %scan3A_254 : i32
    %scan3A_256 = arith.constant 1 : i32
    scf.for %scan3A_333 = %scan3A to %scan3A_255 step %scan3A_256  : i32 {
      %mul3A_334 = arith.constant 4 : i32
      %mul3A_335 = arith.muli %scan3A_333, %mul3A_334 : i32
      %add3A_336 = arith.constant 0 : i32
      %add3A_337 = arith.addi %add3A_336, %mul3A_335 : i32
      %add3A_338 = arith.constant 0 : i32
      %add3A_339 = arith.addi %add3A_337, %add3A_338 : i32
      %dma_wait3A_340 = arith.constant 0 : i32
      %dma_wait3A_341 = tpu.memref_slice %arg6[%add3A_339, %dma_wait3A_340] : memref<200x128xi32, #tpu.memory_space<vmem>> -> memref<1x128xi32, #tpu.memory_space<vmem>>
      %dma_wait3A_342 = tpu.memref_squeeze %dma_wait3A_341 : memref<1x128xi32, #tpu.memory_space<vmem>> -> memref<128xi32, #tpu.memory_space<vmem>>
      %dma_wait3A_343 = arith.constant 0 : i32
      %dma_wait3A_344 = arith.constant 0 : i32
      %dma_wait3A_345 = tpu.memref_slice %arg3[%dma_wait3A_343, %dma_wait3A_344] : memref<100000x64xf32, #tpu.memory_space<hbm>> -> memref<100000x64xf32, #tpu.memory_space<hbm>>
      tpu.wait_indirect_dma semaphore(%arg16 : memref<!tpu.dma_semaphore, #tpu.memory_space<semaphore_mem>>) src(%dma_wait3A_345 : memref<100000x64xf32, #tpu.memory_space<hbm>>) dst(%arg8 : memref<128x64xf32, #tpu.memory_space<vmem>>)
      %ge3A = arith.constant 4 : i32
      %ge3A_346 = arith.cmpi sge, %add3A_339, %ge3A : i32
      %convert_element_type3A = arith.extui %ge3A_346 : i1 to i32
      %cond3A = arith.constant 0 : i32
      %cond3A_347 = arith.cmpi ne, %convert_element_type3A, %cond3A : i32
      scf.if %cond3A_347 {
        %sub3A_545 = arith.constant 4 : i32
        %sub3A_546 = arith.subi %add3A_339, %sub3A_545 : i32
        %dma_wait3A_547 = arith.constant 0 : i32
        %dma_wait3A_548 = arith.constant 0 : i32
        %dma_wait3A_549 = arith.constant 0 : i32
        %dma_wait3A_550 = tpu.memref_slice %arg12[%dma_wait3A_547, %dma_wait3A_548, %dma_wait3A_549] : memref<8x8x129xf32, #tpu.memory_space<vmem>> -> memref<8x8x128xf32, #tpu.memory_space<vmem>>
        %dma_wait3A_551 = arith.constant 0 : i32
        %dma_wait3A_552 = arith.constant 0 : i32
        %dma_wait3A_553 = arith.constant 0 : i32
        %dma_wait3A_554 = tpu.memref_slice %arg5[%sub3A_546, %dma_wait3A_551, %add3A, %dma_wait3A_552, %dma_wait3A_553] : memref<200x8x32x8x128xf32, #tpu.memory_space<hbm>> -> memref<1x8x1x8x128xf32, #tpu.memory_space<hbm>>
        %dma_wait3A_555 = tpu.memref_squeeze %dma_wait3A_554 : memref<1x8x1x8x128xf32, #tpu.memory_space<hbm>> -> memref<8x8x128xf32, #tpu.memory_space<hbm>>
        %dma_wait3A_556 = arith.constant 0 : i32
        %dma_wait3A_557 = arith.constant 0 : i32
        %dma_wait3A_558 = arith.constant 0 : i32
        %dma_wait3A_559 = tpu.memref_slice %arg5[%sub3A_546, %dma_wait3A_556, %add3A, %dma_wait3A_557, %dma_wait3A_558] : memref<200x8x32x8x128xf32, #tpu.memory_space<hbm>> -> memref<1x8x1x8x128xf32, #tpu.memory_space<hbm>>
        %dma_wait3A_560 = tpu.memref_squeeze %dma_wait3A_559 : memref<1x8x1x8x128xf32, #tpu.memory_space<hbm>> -> memref<8x8x128xf32, #tpu.memory_space<hbm>>
        %dma_wait3A_561 = arith.constant 0 : i32
        %dma_wait3A_562 = arith.constant 0 : i32
        %dma_wait3A_563 = arith.constant 0 : i32
        %dma_wait3A_564 = tpu.memref_slice %arg12[%dma_wait3A_561, %dma_wait3A_562, %dma_wait3A_563] : memref<8x8x129xf32, #tpu.memory_space<vmem>> -> memref<8x8x128xf32, #tpu.memory_space<vmem>>
        tpu.wait_dma2 semaphore(%arg20 : memref<!tpu.dma_semaphore, #tpu.memory_space<semaphore_mem>>) src(%dma_wait3A_564 : memref<8x8x128xf32, #tpu.memory_space<vmem>>) dst(%dma_wait3A_560 : memref<8x8x128xf32, #tpu.memory_space<hbm>>)
      } else {
      }
      %get3A = arith.index_cast %add3A_339 : i32 to index
      %get3A_348 = arith.constant 0 : index
      %get3A_349 = tpu.vector_load %arg7[%get3A, %get3A_348] {strides = array<i32>} : memref<200x64xf32, #tpu.memory_space<vmem>>, vector<16xf32>,
      %get3A_350 = arith.index_cast %add3A_339 : i32 to index
      %get3A_351 = arith.constant 16 : index
      %get3A_352 = tpu.vector_load %arg7[%get3A_350, %get3A_351] {strides = array<i32>} : memref<200x64xf32, #tpu.memory_space<vmem>>, vector<16xf32>,
      %get3A_353 = arith.index_cast %add3A_339 : i32 to index
      %get3A_354 = arith.constant 32 : index
      %get3A_355 = tpu.vector_load %arg7[%get3A_353, %get3A_354] {strides = array<i32>} : memref<200x64xf32, #tpu.memory_space<vmem>>, vector<16xf32>,
      %get3A_356 = arith.index_cast %add3A_339 : i32 to index
      %get3A_357 = arith.constant 48 : index
      %get3A_358 = tpu.vector_load %arg7[%get3A_356, %get3A_357] {strides = array<i32>} : memref<200x64xf32, #tpu.memory_space<vmem>>, vector<16xf32>,
      %parallel_loop3A = arith.constant 0 : i32
      %parallel_loop3A_359 = arith.constant 128 : i32
      %parallel_loop3A_360 = arith.constant 1 : i32
      scf.for %parallel_loop3A_545 = %parallel_loop3A to %parallel_loop3A_359 step %parallel_loop3A_360  : i32 {
        %parallel_loop3A_546 = vector.broadcast %parallel_loop3A_545 : i32 to vector<16xi32>
        %parallel_loop3A_547 = arith.index_cast %parallel_loop3A_545 : i32 to index
        %parallel_loop3A_548 = arith.constant 0 : index
        %parallel_loop3A_549 = tpu.vector_load %arg8[%parallel_loop3A_547, %parallel_loop3A_548] {strides = array<i32>} : memref<128x64xf32, #tpu.memory_space<vmem>>, vector<16xf32>,
        %parallel_loop3A_550 = arith.addf %parallel_loop3A_549, %get3A_349 : vector<16xf32>
        tpu.vector_store_idx %arg12[%select_n3A, %select_n3A_151, %parallel_loop3A_546], %parallel_loop3A_550 : memref<8x8x129xf32, #tpu.memory_space<vmem>>[vector<16xi32>, vector<16xi32>, vector<16xi32>], vector<16xf32>,
        %parallel_loop3A_551 = arith.index_cast %parallel_loop3A_545 : i32 to index
        %parallel_loop3A_552 = arith.constant 16 : index
        %parallel_loop3A_553 = tpu.vector_load %arg8[%parallel_loop3A_551, %parallel_loop3A_552] {strides = array<i32>} : memref<128x64xf32, #tpu.memory_space<vmem>>, vector<16xf32>,
        %parallel_loop3A_554 = arith.addf %parallel_loop3A_553, %get3A_352 : vector<16xf32>
        tpu.vector_store_idx %arg12[%select_n3A_60, %select_n3A_176, %parallel_loop3A_546], %parallel_loop3A_554 : memref<8x8x129xf32, #tpu.memory_space<vmem>>[vector<16xi32>, vector<16xi32>, vector<16xi32>], vector<16xf32>,
        %parallel_loop3A_555 = arith.index_cast %parallel_loop3A_545 : i32 to index
        %parallel_loop3A_556 = arith.constant 32 : index
        %parallel_loop3A_557 = tpu.vector_load %arg8[%parallel_loop3A_555, %parallel_loop3A_556] {strides = array<i32>} : memref<128x64xf32, #tpu.memory_space<vmem>>, vector<16xf32>,
        %parallel_loop3A_558 = arith.addf %parallel_loop3A_557, %get3A_355 : vector<16xf32>
        tpu.vector_store_idx %arg12[%select_n3A_94, %select_n3A_201, %parallel_loop3A_546], %parallel_loop3A_558 : memref<8x8x129xf32, #tpu.memory_space<vmem>>[vector<16xi32>, vector<16xi32>, vector<16xi32>], vector<16xf32>,
        %parallel_loop3A_559 = arith.index_cast %parallel_loop3A_545 : i32 to index
        %parallel_loop3A_560 = arith.constant 48 : index
        %parallel_loop3A_561 = tpu.vector_load %arg8[%parallel_loop3A_559, %parallel_loop3A_560] {strides = array<i32>} : memref<128x64xf32, #tpu.memory_space<vmem>>, vector<16xf32>,
        %parallel_loop3A_562 = arith.addf %parallel_loop3A_561, %get3A_358 : vector<16xf32>
        tpu.vector_store_idx %arg12[%select_n3A_128, %select_n3A_226, %parallel_loop3A_546], %parallel_loop3A_562 : memref<8x8x129xf32, #tpu.memory_space<vmem>>[vector<16xi32>, vector<16xi32>, vector<16xi32>], vector<16xf32>,
      } {sc.loop_unroll_factor = 4 : i64, sc.parallel_access}
      %dma_start3A_361 = arith.constant 0 : i32
      %dma_start3A_362 = arith.constant 0 : i32
      %dma_start3A_363 = arith.constant 0 : i32
      %dma_start3A_364 = tpu.memref_slice %arg12[%dma_start3A_361, %dma_start3A_362, %dma_start3A_363] : memref<8x8x129xf32, #tpu.memory_space<vmem>> -> memref<8x8x128xf32, #tpu.memory_space<vmem>>
      %dma_start3A_365 = arith.constant 0 : i32
      %dma_start3A_366 = arith.constant 0 : i32
      %dma_start3A_367 = arith.constant 0 : i32
      %dma_start3A_368 = tpu.memref_slice %arg5[%add3A_339, %dma_start3A_365, %add3A, %dma_start3A_366, %dma_start3A_367] : memref<200x8x32x8x128xf32, #tpu.memory_space<hbm>> -> memref<1x8x1x8x128xf32, #tpu.memory_space<hbm>>
      %dma_start3A_369 = tpu.memref_squeeze %dma_start3A_368 : memref<1x8x1x8x128xf32, #tpu.memory_space<hbm>> -> memref<8x8x128xf32, #tpu.memory_space<hbm>>
      %dma_start3A_370 = arith.constant 0 : i32
      %dma_start3A_371 = arith.constant 0 : i32
      %dma_start3A_372 = arith.constant 0 : i32
      %dma_start3A_373 = tpu.memref_slice %arg5[%add3A_339, %dma_start3A_370, %add3A, %dma_start3A_371, %dma_start3A_372] : memref<200x8x32x8x128xf32, #tpu.memory_space<hbm>> -> memref<1x8x1x8x128xf32, #tpu.memory_space<hbm>>
      %dma_start3A_374 = tpu.memref_squeeze %dma_start3A_373 : memref<1x8x1x8x128xf32, #tpu.memory_space<hbm>> -> memref<8x8x128xf32, #tpu.memory_space<hbm>>
      %dma_start3A_375 = arith.constant 0 : i32
      %dma_start3A_376 = arith.constant 0 : i32
      %dma_start3A_377 = arith.constant 0 : i32
      %dma_start3A_378 = tpu.memref_slice %arg12[%dma_start3A_375, %dma_start3A_376, %dma_start3A_377] : memref<8x8x129xf32, #tpu.memory_space<vmem>> -> memref<8x8x128xf32, #tpu.memory_space<vmem>>
      tpu.enqueue_dma source(%dma_start3A_378 : memref<8x8x128xf32, #tpu.memory_space<vmem>>) target(%dma_start3A_374 : memref<8x8x128xf32, #tpu.memory_space<hbm>>) target_semaphore(%arg20 : memref<!tpu.dma_semaphore, #tpu.memory_space<semaphore_mem>>)
      %add3A_379 = arith.constant 4 : i32
      %add3A_380 = arith.addi %add3A_339, %add3A_379 : i32
      %lt3A_381 = arith.constant 200 : i32
      %lt3A_382 = arith.cmpi slt, %add3A_380, %lt3A_381 : i32
      %convert_element_type3A_383 = arith.extui %lt3A_382 : i1 to i32
      %cond3A_384 = arith.constant 0 : i32
      %cond3A_385 = arith.cmpi ne, %convert_element_type3A_383, %cond3A_384 : i32
      scf.if %cond3A_385 {
        %add3A_545 = arith.constant 4 : i32
        %add3A_546 = arith.addi %add3A_339, %add3A_545 : i32
        %dma_start3A_547 = arith.constant 0 : i32
        %dma_start3A_548 = tpu.memref_slice %arg6[%add3A_546, %dma_start3A_547] : memref<200x128xi32, #tpu.memory_space<vmem>> -> memref<1x128xi32, #tpu.memory_space<vmem>>
        %dma_start3A_549 = tpu.memref_squeeze %dma_start3A_548 : memref<1x128xi32, #tpu.memory_space<vmem>> -> memref<128xi32, #tpu.memory_space<vmem>>
        %dma_start3A_550 = arith.constant 0 : i32
        %dma_start3A_551 = arith.constant 0 : i32
        %dma_start3A_552 = tpu.memref_slice %arg3[%dma_start3A_550, %dma_start3A_551] : memref<100000x64xf32, #tpu.memory_space<hbm>> -> memref<100000x64xf32, #tpu.memory_space<hbm>>
        tpu.enqueue_indirect_dma source(%dma_start3A_552 : memref<100000x64xf32, #tpu.memory_space<hbm>>) target(%arg8 : memref<128x64xf32, #tpu.memory_space<vmem>>) offsets(%dma_start3A_549 : memref<128xi32, #tpu.memory_space<vmem>>) semaphore(%arg16 : memref<!tpu.dma_semaphore, #tpu.memory_space<semaphore_mem>>)
      } else {
      }
      %add3A_386 = arith.constant 1 : i32
      %add3A_387 = arith.addi %add3A_337, %add3A_386 : i32
      %dma_wait3A_388 = arith.constant 0 : i32
      %dma_wait3A_389 = tpu.memref_slice %arg6[%add3A_387, %dma_wait3A_388] : memref<200x128xi32, #tpu.memory_space<vmem>> -> memref<1x128xi32, #tpu.memory_space<vmem>>
      %dma_wait3A_390 = tpu.memref_squeeze %dma_wait3A_389 : memref<1x128xi32, #tpu.memory_space<vmem>> -> memref<128xi32, #tpu.memory_space<vmem>>
      %dma_wait3A_391 = arith.constant 0 : i32
      %dma_wait3A_392 = arith.constant 0 : i32
      %dma_wait3A_393 = tpu.memref_slice %arg3[%dma_wait3A_391, %dma_wait3A_392] : memref<100000x64xf32, #tpu.memory_space<hbm>> -> memref<100000x64xf32, #tpu.memory_space<hbm>>
      tpu.wait_indirect_dma semaphore(%arg17 : memref<!tpu.dma_semaphore, #tpu.memory_space<semaphore_mem>>) src(%dma_wait3A_393 : memref<100000x64xf32, #tpu.memory_space<hbm>>) dst(%arg9 : memref<128x64xf32, #tpu.memory_space<vmem>>)
      %ge3A_394 = arith.constant 4 : i32
      %ge3A_395 = arith.cmpi sge, %add3A_387, %ge3A_394 : i32
      %convert_element_type3A_396 = arith.extui %ge3A_395 : i1 to i32
      %cond3A_397 = arith.constant 0 : i32
      %cond3A_398 = arith.cmpi ne, %convert_element_type3A_396, %cond3A_397 : i32
      scf.if %cond3A_398 {
        %sub3A_545 = arith.constant 4 : i32
        %sub3A_546 = arith.subi %add3A_387, %sub3A_545 : i32
        %dma_wait3A_547 = arith.constant 0 : i32
        %dma_wait3A_548 = arith.constant 0 : i32
        %dma_wait3A_549 = arith.constant 0 : i32
        %dma_wait3A_550 = tpu.memref_slice %arg13[%dma_wait3A_547, %dma_wait3A_548, %dma_wait3A_549] : memref<8x8x129xf32, #tpu.memory_space<vmem>> -> memref<8x8x128xf32, #tpu.memory_space<vmem>>
        %dma_wait3A_551 = arith.constant 0 : i32
        %dma_wait3A_552 = arith.constant 0 : i32
        %dma_wait3A_553 = arith.constant 0 : i32
        %dma_wait3A_554 = tpu.memref_slice %arg5[%sub3A_546, %dma_wait3A_551, %add3A, %dma_wait3A_552, %dma_wait3A_553] : memref<200x8x32x8x128xf32, #tpu.memory_space<hbm>> -> memref<1x8x1x8x128xf32, #tpu.memory_space<hbm>>
        %dma_wait3A_555 = tpu.memref_squeeze %dma_wait3A_554 : memref<1x8x1x8x128xf32, #tpu.memory_space<hbm>> -> memref<8x8x128xf32, #tpu.memory_space<hbm>>
        %dma_wait3A_556 = arith.constant 0 : i32
        %dma_wait3A_557 = arith.constant 0 : i32
        %dma_wait3A_558 = arith.constant 0 : i32
        %dma_wait3A_559 = tpu.memref_slice %arg5[%sub3A_546, %dma_wait3A_556, %add3A, %dma_wait3A_557, %dma_wait3A_558] : memref<200x8x32x8x128xf32, #tpu.memory_space<hbm>> -> memref<1x8x1x8x128xf32, #tpu.memory_space<hbm>>
        %dma_wait3A_560 = tpu.memref_squeeze %dma_wait3A_559 : memref<1x8x1x8x128xf32, #tpu.memory_space<hbm>> -> memref<8x8x128xf32, #tpu.memory_space<hbm>>
        %dma_wait3A_561 = arith.constant 0 : i32
        %dma_wait3A_562 = arith.constant 0 : i32
        %dma_wait3A_563 = arith.constant 0 : i32
        %dma_wait3A_564 = tpu.memref_slice %arg13[%dma_wait3A_561, %dma_wait3A_562, %dma_wait3A_563] : memref<8x8x129xf32, #tpu.memory_space<vmem>> -> memref<8x8x128xf32, #tpu.memory_space<vmem>>
        tpu.wait_dma2 semaphore(%arg21 : memref<!tpu.dma_semaphore, #tpu.memory_space<semaphore_mem>>) src(%dma_wait3A_564 : memref<8x8x128xf32, #tpu.memory_space<vmem>>) dst(%dma_wait3A_560 : memref<8x8x128xf32, #tpu.memory_space<hbm>>)
      } else {
      }
      %get3A_399 = arith.index_cast %add3A_387 : i32 to index
      %get3A_400 = arith.constant 0 : index
      %get3A_401 = tpu.vector_load %arg7[%get3A_399, %get3A_400] {strides = array<i32>} : memref<200x64xf32, #tpu.memory_space<vmem>>, vector<16xf32>,
      %get3A_402 = arith.index_cast %add3A_387 : i32 to index
      %get3A_403 = arith.constant 16 : index
      %get3A_404 = tpu.vector_load %arg7[%get3A_402, %get3A_403] {strides = array<i32>} : memref<200x64xf32, #tpu.memory_space<vmem>>, vector<16xf32>,
      %get3A_405 = arith.index_cast %add3A_387 : i32 to index
      %get3A_406 = arith.constant 32 : index
      %get3A_407 = tpu.vector_load %arg7[%get3A_405, %get3A_406] {strides = array<i32>} : memref<200x64xf32, #tpu.memory_space<vmem>>, vector<16xf32>,
      %get3A_408 = arith.index_cast %add3A_387 : i32 to index
      %get3A_409 = arith.constant 48 : index
      %get3A_410 = tpu.vector_load %arg7[%get3A_408, %get3A_409] {strides = array<i32>} : memref<200x64xf32, #tpu.memory_space<vmem>>, vector<16xf32>,
      %parallel_loop3A_411 = arith.constant 0 : i32
      %parallel_loop3A_412 = arith.constant 128 : i32
      %parallel_loop3A_413 = arith.constant 1 : i32
      scf.for %parallel_loop3A_545 = %parallel_loop3A_411 to %parallel_loop3A_412 step %parallel_loop3A_413  : i32 {
        %parallel_loop3A_546 = vector.broadcast %parallel_loop3A_545 : i32 to vector<16xi32>
        %parallel_loop3A_547 = arith.index_cast %parallel_loop3A_545 : i32 to index
        %parallel_loop3A_548 = arith.constant 0 : index
        %parallel_loop3A_549 = tpu.vector_load %arg9[%parallel_loop3A_547, %parallel_loop3A_548] {strides = array<i32>} : memref<128x64xf32, #tpu.memory_space<vmem>>, vector<16xf32>,
        %parallel_loop3A_550 = arith.addf %parallel_loop3A_549, %get3A_401 : vector<16xf32>
        tpu.vector_store_idx %arg13[%select_n3A, %select_n3A_151, %parallel_loop3A_546], %parallel_loop3A_550 : memref<8x8x129xf32, #tpu.memory_space<vmem>>[vector<16xi32>, vector<16xi32>, vector<16xi32>], vector<16xf32>,
        %parallel_loop3A_551 = arith.index_cast %parallel_loop3A_545 : i32 to index
        %parallel_loop3A_552 = arith.constant 16 : index
        %parallel_loop3A_553 = tpu.vector_load %arg9[%parallel_loop3A_551, %parallel_loop3A_552] {strides = array<i32>} : memref<128x64xf32, #tpu.memory_space<vmem>>, vector<16xf32>,
        %parallel_loop3A_554 = arith.addf %parallel_loop3A_553, %get3A_404 : vector<16xf32>
        tpu.vector_store_idx %arg13[%select_n3A_60, %select_n3A_176, %parallel_loop3A_546], %parallel_loop3A_554 : memref<8x8x129xf32, #tpu.memory_space<vmem>>[vector<16xi32>, vector<16xi32>, vector<16xi32>], vector<16xf32>,
        %parallel_loop3A_555 = arith.index_cast %parallel_loop3A_545 : i32 to index
        %parallel_loop3A_556 = arith.constant 32 : index
        %parallel_loop3A_557 = tpu.vector_load %arg9[%parallel_loop3A_555, %parallel_loop3A_556] {strides = array<i32>} : memref<128x64xf32, #tpu.memory_space<vmem>>, vector<16xf32>,
        %parallel_loop3A_558 = arith.addf %parallel_loop3A_557, %get3A_407 : vector<16xf32>
        tpu.vector_store_idx %arg13[%select_n3A_94, %select_n3A_201, %parallel_loop3A_546], %parallel_loop3A_558 : memref<8x8x129xf32, #tpu.memory_space<vmem>>[vector<16xi32>, vector<16xi32>, vector<16xi32>], vector<16xf32>,
        %parallel_loop3A_559 = arith.index_cast %parallel_loop3A_545 : i32 to index
        %parallel_loop3A_560 = arith.constant 48 : index
        %parallel_loop3A_561 = tpu.vector_load %arg9[%parallel_loop3A_559, %parallel_loop3A_560] {strides = array<i32>} : memref<128x64xf32, #tpu.memory_space<vmem>>, vector<16xf32>,
        %parallel_loop3A_562 = arith.addf %parallel_loop3A_561, %get3A_410 : vector<16xf32>
        tpu.vector_store_idx %arg13[%select_n3A_128, %select_n3A_226, %parallel_loop3A_546], %parallel_loop3A_562 : memref<8x8x129xf32, #tpu.memory_space<vmem>>[vector<16xi32>, vector<16xi32>, vector<16xi32>], vector<16xf32>,
      } {sc.loop_unroll_factor = 4 : i64, sc.parallel_access}
      %dma_start3A_414 = arith.constant 0 : i32
      %dma_start3A_415 = arith.constant 0 : i32
      %dma_start3A_416 = arith.constant 0 : i32
      %dma_start3A_417 = tpu.memref_slice %arg13[%dma_start3A_414, %dma_start3A_415, %dma_start3A_416] : memref<8x8x129xf32, #tpu.memory_space<vmem>> -> memref<8x8x128xf32, #tpu.memory_space<vmem>>
      %dma_start3A_418 = arith.constant 0 : i32
      %dma_start3A_419 = arith.constant 0 : i32
      %dma_start3A_420 = arith.constant 0 : i32
      %dma_start3A_421 = tpu.memref_slice %arg5[%add3A_387, %dma_start3A_418, %add3A, %dma_start3A_419, %dma_start3A_420] : memref<200x8x32x8x128xf32, #tpu.memory_space<hbm>> -> memref<1x8x1x8x128xf32, #tpu.memory_space<hbm>>
      %dma_start3A_422 = tpu.memref_squeeze %dma_start3A_421 : memref<1x8x1x8x128xf32, #tpu.memory_space<hbm>> -> memref<8x8x128xf32, #tpu.memory_space<hbm>>
      %dma_start3A_423 = arith.constant 0 : i32
      %dma_start3A_424 = arith.constant 0 : i32
      %dma_start3A_425 = arith.constant 0 : i32
      %dma_start3A_426 = tpu.memref_slice %arg5[%add3A_387, %dma_start3A_423, %add3A, %dma_start3A_424, %dma_start3A_425] : memref<200x8x32x8x128xf32, #tpu.memory_space<hbm>> -> memref<1x8x1x8x128xf32, #tpu.memory_space<hbm>>
      %dma_start3A_427 = tpu.memref_squeeze %dma_start3A_426 : memref<1x8x1x8x128xf32, #tpu.memory_space<hbm>> -> memref<8x8x128xf32, #tpu.memory_space<hbm>>
      %dma_start3A_428 = arith.constant 0 : i32
      %dma_start3A_429 = arith.constant 0 : i32
      %dma_start3A_430 = arith.constant 0 : i32
      %dma_start3A_431 = tpu.memref_slice %arg13[%dma_start3A_428, %dma_start3A_429, %dma_start3A_430] : memref<8x8x129xf32, #tpu.memory_space<vmem>> -> memref<8x8x128xf32, #tpu.memory_space<vmem>>
      tpu.enqueue_dma source(%dma_start3A_431 : memref<8x8x128xf32, #tpu.memory_space<vmem>>) target(%dma_start3A_427 : memref<8x8x128xf32, #tpu.memory_space<hbm>>) target_semaphore(%arg21 : memref<!tpu.dma_semaphore, #tpu.memory_space<semaphore_mem>>)
      %add3A_432 = arith.constant 4 : i32
      %add3A_433 = arith.addi %add3A_387, %add3A_432 : i32
      %lt3A_434 = arith.constant 200 : i32
      %lt3A_435 = arith.cmpi slt, %add3A_433, %lt3A_434 : i32
      %convert_element_type3A_436 = arith.extui %lt3A_435 : i1 to i32
      %cond3A_437 = arith.constant 0 : i32
      %cond3A_438 = arith.cmpi ne, %convert_element_type3A_436, %cond3A_437 : i32
      scf.if %cond3A_438 {
        %add3A_545 = arith.constant 4 : i32
        %add3A_546 = arith.addi %add3A_387, %add3A_545 : i32
        %dma_start3A_547 = arith.constant 0 : i32
        %dma_start3A_548 = tpu.memref_slice %arg6[%add3A_546, %dma_start3A_547] : memref<200x128xi32, #tpu.memory_space<vmem>> -> memref<1x128xi32, #tpu.memory_space<vmem>>
        %dma_start3A_549 = tpu.memref_squeeze %dma_start3A_548 : memref<1x128xi32, #tpu.memory_space<vmem>> -> memref<128xi32, #tpu.memory_space<vmem>>
        %dma_start3A_550 = arith.constant 0 : i32
        %dma_start3A_551 = arith.constant 0 : i32
        %dma_start3A_552 = tpu.memref_slice %arg3[%dma_start3A_550, %dma_start3A_551] : memref<100000x64xf32, #tpu.memory_space<hbm>> -> memref<100000x64xf32, #tpu.memory_space<hbm>>
        tpu.enqueue_indirect_dma source(%dma_start3A_552 : memref<100000x64xf32, #tpu.memory_space<hbm>>) target(%arg9 : memref<128x64xf32, #tpu.memory_space<vmem>>) offsets(%dma_start3A_549 : memref<128xi32, #tpu.memory_space<vmem>>) semaphore(%arg17 : memref<!tpu.dma_semaphore, #tpu.memory_space<semaphore_mem>>)
      } else {
      }
      %add3A_439 = arith.constant 2 : i32
      %add3A_440 = arith.addi %add3A_337, %add3A_439 : i32
      %dma_wait3A_441 = arith.constant 0 : i32
      %dma_wait3A_442 = tpu.memref_slice %arg6[%add3A_440, %dma_wait3A_441] : memref<200x128xi32, #tpu.memory_space<vmem>> -> memref<1x128xi32, #tpu.memory_space<vmem>>
      %dma_wait3A_443 = tpu.memref_squeeze %dma_wait3A_442 : memref<1x128xi32, #tpu.memory_space<vmem>> -> memref<128xi32, #tpu.memory_space<vmem>>
      %dma_wait3A_444 = arith.constant 0 : i32
      %dma_wait3A_445 = arith.constant 0 : i32
      %dma_wait3A_446 = tpu.memref_slice %arg3[%dma_wait3A_444, %dma_wait3A_445] : memref<100000x64xf32, #tpu.memory_space<hbm>> -> memref<100000x64xf32, #tpu.memory_space<hbm>>
      tpu.wait_indirect_dma semaphore(%arg18 : memref<!tpu.dma_semaphore, #tpu.memory_space<semaphore_mem>>) src(%dma_wait3A_446 : memref<100000x64xf32, #tpu.memory_space<hbm>>) dst(%arg10 : memref<128x64xf32, #tpu.memory_space<vmem>>)
      %ge3A_447 = arith.constant 4 : i32
      %ge3A_448 = arith.cmpi sge, %add3A_440, %ge3A_447 : i32
      %convert_element_type3A_449 = arith.extui %ge3A_448 : i1 to i32
      %cond3A_450 = arith.constant 0 : i32
      %cond3A_451 = arith.cmpi ne, %convert_element_type3A_449, %cond3A_450 : i32
      scf.if %cond3A_451 {
        %sub3A_545 = arith.constant 4 : i32
        %sub3A_546 = arith.subi %add3A_440, %sub3A_545 : i32
        %dma_wait3A_547 = arith.constant 0 : i32
        %dma_wait3A_548 = arith.constant 0 : i32
        %dma_wait3A_549 = arith.constant 0 : i32
        %dma_wait3A_550 = tpu.memref_slice %arg14[%dma_wait3A_547, %dma_wait3A_548, %dma_wait3A_549] : memref<8x8x129xf32, #tpu.memory_space<vmem>> -> memref<8x8x128xf32, #tpu.memory_space<vmem>>
        %dma_wait3A_551 = arith.constant 0 : i32
        %dma_wait3A_552 = arith.constant 0 : i32
        %dma_wait3A_553 = arith.constant 0 : i32
        %dma_wait3A_554 = tpu.memref_slice %arg5[%sub3A_546, %dma_wait3A_551, %add3A, %dma_wait3A_552, %dma_wait3A_553] : memref<200x8x32x8x128xf32, #tpu.memory_space<hbm>> -> memref<1x8x1x8x128xf32, #tpu.memory_space<hbm>>
        %dma_wait3A_555 = tpu.memref_squeeze %dma_wait3A_554 : memref<1x8x1x8x128xf32, #tpu.memory_space<hbm>> -> memref<8x8x128xf32, #tpu.memory_space<hbm>>
        %dma_wait3A_556 = arith.constant 0 : i32
        %dma_wait3A_557 = arith.constant 0 : i32
        %dma_wait3A_558 = arith.constant 0 : i32
        %dma_wait3A_559 = tpu.memref_slice %arg5[%sub3A_546, %dma_wait3A_556, %add3A, %dma_wait3A_557, %dma_wait3A_558] : memref<200x8x32x8x128xf32, #tpu.memory_space<hbm>> -> memref<1x8x1x8x128xf32, #tpu.memory_space<hbm>>
        %dma_wait3A_560 = tpu.memref_squeeze %dma_wait3A_559 : memref<1x8x1x8x128xf32, #tpu.memory_space<hbm>> -> memref<8x8x128xf32, #tpu.memory_space<hbm>>
        %dma_wait3A_561 = arith.constant 0 : i32
        %dma_wait3A_562 = arith.constant 0 : i32
        %dma_wait3A_563 = arith.constant 0 : i32
        %dma_wait3A_564 = tpu.memref_slice %arg14[%dma_wait3A_561, %dma_wait3A_562, %dma_wait3A_563] : memref<8x8x129xf32, #tpu.memory_space<vmem>> -> memref<8x8x128xf32, #tpu.memory_space<vmem>>
        tpu.wait_dma2 semaphore(%arg22 : memref<!tpu.dma_semaphore, #tpu.memory_space<semaphore_mem>>) src(%dma_wait3A_564 : memref<8x8x128xf32, #tpu.memory_space<vmem>>) dst(%dma_wait3A_560 : memref<8x8x128xf32, #tpu.memory_space<hbm>>)
      } else {
      }
      %get3A_452 = arith.index_cast %add3A_440 : i32 to index
      %get3A_453 = arith.constant 0 : index
      %get3A_454 = tpu.vector_load %arg7[%get3A_452, %get3A_453] {strides = array<i32>} : memref<200x64xf32, #tpu.memory_space<vmem>>, vector<16xf32>,
      %get3A_455 = arith.index_cast %add3A_440 : i32 to index
      %get3A_456 = arith.constant 16 : index
      %get3A_457 = tpu.vector_load %arg7[%get3A_455, %get3A_456] {strides = array<i32>} : memref<200x64xf32, #tpu.memory_space<vmem>>, vector<16xf32>,
      %get3A_458 = arith.index_cast %add3A_440 : i32 to index
      %get3A_459 = arith.constant 32 : index
      %get3A_460 = tpu.vector_load %arg7[%get3A_458, %get3A_459] {strides = array<i32>} : memref<200x64xf32, #tpu.memory_space<vmem>>, vector<16xf32>,
      %get3A_461 = arith.index_cast %add3A_440 : i32 to index
      %get3A_462 = arith.constant 48 : index
      %get3A_463 = tpu.vector_load %arg7[%get3A_461, %get3A_462] {strides = array<i32>} : memref<200x64xf32, #tpu.memory_space<vmem>>, vector<16xf32>,
      %parallel_loop3A_464 = arith.constant 0 : i32
      %parallel_loop3A_465 = arith.constant 128 : i32
      %parallel_loop3A_466 = arith.constant 1 : i32
      scf.for %parallel_loop3A_545 = %parallel_loop3A_464 to %parallel_loop3A_465 step %parallel_loop3A_466  : i32 {
        %parallel_loop3A_546 = vector.broadcast %parallel_loop3A_545 : i32 to vector<16xi32>
        %parallel_loop3A_547 = arith.index_cast %parallel_loop3A_545 : i32 to index
        %parallel_loop3A_548 = arith.constant 0 : index
        %parallel_loop3A_549 = tpu.vector_load %arg10[%parallel_loop3A_547, %parallel_loop3A_548] {strides = array<i32>} : memref<128x64xf32, #tpu.memory_space<vmem>>, vector<16xf32>,
        %parallel_loop3A_550 = arith.addf %parallel_loop3A_549, %get3A_454 : vector<16xf32>
        tpu.vector_store_idx %arg14[%select_n3A, %select_n3A_151, %parallel_loop3A_546], %parallel_loop3A_550 : memref<8x8x129xf32, #tpu.memory_space<vmem>>[vector<16xi32>, vector<16xi32>, vector<16xi32>], vector<16xf32>,
        %parallel_loop3A_551 = arith.index_cast %parallel_loop3A_545 : i32 to index
        %parallel_loop3A_552 = arith.constant 16 : index
        %parallel_loop3A_553 = tpu.vector_load %arg10[%parallel_loop3A_551, %parallel_loop3A_552] {strides = array<i32>} : memref<128x64xf32, #tpu.memory_space<vmem>>, vector<16xf32>,
        %parallel_loop3A_554 = arith.addf %parallel_loop3A_553, %get3A_457 : vector<16xf32>
        tpu.vector_store_idx %arg14[%select_n3A_60, %select_n3A_176, %parallel_loop3A_546], %parallel_loop3A_554 : memref<8x8x129xf32, #tpu.memory_space<vmem>>[vector<16xi32>, vector<16xi32>, vector<16xi32>], vector<16xf32>,
        %parallel_loop3A_555 = arith.index_cast %parallel_loop3A_545 : i32 to index
        %parallel_loop3A_556 = arith.constant 32 : index
        %parallel_loop3A_557 = tpu.vector_load %arg10[%parallel_loop3A_555, %parallel_loop3A_556] {strides = array<i32>} : memref<128x64xf32, #tpu.memory_space<vmem>>, vector<16xf32>,
        %parallel_loop3A_558 = arith.addf %parallel_loop3A_557, %get3A_460 : vector<16xf32>
        tpu.vector_store_idx %arg14[%select_n3A_94, %select_n3A_201, %parallel_loop3A_546], %parallel_loop3A_558 : memref<8x8x129xf32, #tpu.memory_space<vmem>>[vector<16xi32>, vector<16xi32>, vector<16xi32>], vector<16xf32>,
        %parallel_loop3A_559 = arith.index_cast %parallel_loop3A_545 : i32 to index
        %parallel_loop3A_560 = arith.constant 48 : index
        %parallel_loop3A_561 = tpu.vector_load %arg10[%parallel_loop3A_559, %parallel_loop3A_560] {strides = array<i32>} : memref<128x64xf32, #tpu.memory_space<vmem>>, vector<16xf32>,
        %parallel_loop3A_562 = arith.addf %parallel_loop3A_561, %get3A_463 : vector<16xf32>
        tpu.vector_store_idx %arg14[%select_n3A_128, %select_n3A_226, %parallel_loop3A_546], %parallel_loop3A_562 : memref<8x8x129xf32, #tpu.memory_space<vmem>>[vector<16xi32>, vector<16xi32>, vector<16xi32>], vector<16xf32>,
      } {sc.loop_unroll_factor = 4 : i64, sc.parallel_access}
      %dma_start3A_467 = arith.constant 0 : i32
      %dma_start3A_468 = arith.constant 0 : i32
      %dma_start3A_469 = arith.constant 0 : i32
      %dma_start3A_470 = tpu.memref_slice %arg14[%dma_start3A_467, %dma_start3A_468, %dma_start3A_469] : memref<8x8x129xf32, #tpu.memory_space<vmem>> -> memref<8x8x128xf32, #tpu.memory_space<vmem>>
      %dma_start3A_471 = arith.constant 0 : i32
      %dma_start3A_472 = arith.constant 0 : i32
      %dma_start3A_473 = arith.constant 0 : i32
      %dma_start3A_474 = tpu.memref_slice %arg5[%add3A_440, %dma_start3A_471, %add3A, %dma_start3A_472, %dma_start3A_473] : memref<200x8x32x8x128xf32, #tpu.memory_space<hbm>> -> memref<1x8x1x8x128xf32, #tpu.memory_space<hbm>>
      %dma_start3A_475 = tpu.memref_squeeze %dma_start3A_474 : memref<1x8x1x8x128xf32, #tpu.memory_space<hbm>> -> memref<8x8x128xf32, #tpu.memory_space<hbm>>
      %dma_start3A_476 = arith.constant 0 : i32
      %dma_start3A_477 = arith.constant 0 : i32
      %dma_start3A_478 = arith.constant 0 : i32
      %dma_start3A_479 = tpu.memref_slice %arg5[%add3A_440, %dma_start3A_476, %add3A, %dma_start3A_477, %dma_start3A_478] : memref<200x8x32x8x128xf32, #tpu.memory_space<hbm>> -> memref<1x8x1x8x128xf32, #tpu.memory_space<hbm>>
      %dma_start3A_480 = tpu.memref_squeeze %dma_start3A_479 : memref<1x8x1x8x128xf32, #tpu.memory_space<hbm>> -> memref<8x8x128xf32, #tpu.memory_space<hbm>>
      %dma_start3A_481 = arith.constant 0 : i32
      %dma_start3A_482 = arith.constant 0 : i32
      %dma_start3A_483 = arith.constant 0 : i32
      %dma_start3A_484 = tpu.memref_slice %arg14[%dma_start3A_481, %dma_start3A_482, %dma_start3A_483] : memref<8x8x129xf32, #tpu.memory_space<vmem>> -> memref<8x8x128xf32, #tpu.memory_space<vmem>>
      tpu.enqueue_dma source(%dma_start3A_484 : memref<8x8x128xf32, #tpu.memory_space<vmem>>) target(%dma_start3A_480 : memref<8x8x128xf32, #tpu.memory_space<hbm>>) target_semaphore(%arg22 : memref<!tpu.dma_semaphore, #tpu.memory_space<semaphore_mem>>)
      %add3A_485 = arith.constant 4 : i32
      %add3A_486 = arith.addi %add3A_440, %add3A_485 : i32
      %lt3A_487 = arith.constant 200 : i32
      %lt3A_488 = arith.cmpi slt, %add3A_486, %lt3A_487 : i32
      %convert_element_type3A_489 = arith.extui %lt3A_488 : i1 to i32
      %cond3A_490 = arith.constant 0 : i32
      %cond3A_491 = arith.cmpi ne, %convert_element_type3A_489, %cond3A_490 : i32
      scf.if %cond3A_491 {
        %add3A_545 = arith.constant 4 : i32
        %add3A_546 = arith.addi %add3A_440, %add3A_545 : i32
        %dma_start3A_547 = arith.constant 0 : i32
        %dma_start3A_548 = tpu.memref_slice %arg6[%add3A_546, %dma_start3A_547] : memref<200x128xi32, #tpu.memory_space<vmem>> -> memref<1x128xi32, #tpu.memory_space<vmem>>
        %dma_start3A_549 = tpu.memref_squeeze %dma_start3A_548 : memref<1x128xi32, #tpu.memory_space<vmem>> -> memref<128xi32, #tpu.memory_space<vmem>>
        %dma_start3A_550 = arith.constant 0 : i32
        %dma_start3A_551 = arith.constant 0 : i32
        %dma_start3A_552 = tpu.memref_slice %arg3[%dma_start3A_550, %dma_start3A_551] : memref<100000x64xf32, #tpu.memory_space<hbm>> -> memref<100000x64xf32, #tpu.memory_space<hbm>>
        tpu.enqueue_indirect_dma source(%dma_start3A_552 : memref<100000x64xf32, #tpu.memory_space<hbm>>) target(%arg10 : memref<128x64xf32, #tpu.memory_space<vmem>>) offsets(%dma_start3A_549 : memref<128xi32, #tpu.memory_space<vmem>>) semaphore(%arg18 : memref<!tpu.dma_semaphore, #tpu.memory_space<semaphore_mem>>)
      } else {
      }
      %add3A_492 = arith.constant 3 : i32
      %add3A_493 = arith.addi %add3A_337, %add3A_492 : i32
      %dma_wait3A_494 = arith.constant 0 : i32
      %dma_wait3A_495 = tpu.memref_slice %arg6[%add3A_493, %dma_wait3A_494] : memref<200x128xi32, #tpu.memory_space<vmem>> -> memref<1x128xi32, #tpu.memory_space<vmem>>
      %dma_wait3A_496 = tpu.memref_squeeze %dma_wait3A_495 : memref<1x128xi32, #tpu.memory_space<vmem>> -> memref<128xi32, #tpu.memory_space<vmem>>
      %dma_wait3A_497 = arith.constant 0 : i32
      %dma_wait3A_498 = arith.constant 0 : i32
      %dma_wait3A_499 = tpu.memref_slice %arg3[%dma_wait3A_497, %dma_wait3A_498] : memref<100000x64xf32, #tpu.memory_space<hbm>> -> memref<100000x64xf32, #tpu.memory_space<hbm>>
      tpu.wait_indirect_dma semaphore(%arg19 : memref<!tpu.dma_semaphore, #tpu.memory_space<semaphore_mem>>) src(%dma_wait3A_499 : memref<100000x64xf32, #tpu.memory_space<hbm>>) dst(%arg11 : memref<128x64xf32, #tpu.memory_space<vmem>>)
      %ge3A_500 = arith.constant 4 : i32
      %ge3A_501 = arith.cmpi sge, %add3A_493, %ge3A_500 : i32
      %convert_element_type3A_502 = arith.extui %ge3A_501 : i1 to i32
      %cond3A_503 = arith.constant 0 : i32
      %cond3A_504 = arith.cmpi ne, %convert_element_type3A_502, %cond3A_503 : i32
      scf.if %cond3A_504 {
        %sub3A_545 = arith.constant 4 : i32
        %sub3A_546 = arith.subi %add3A_493, %sub3A_545 : i32
        %dma_wait3A_547 = arith.constant 0 : i32
        %dma_wait3A_548 = arith.constant 0 : i32
        %dma_wait3A_549 = arith.constant 0 : i32
        %dma_wait3A_550 = tpu.memref_slice %arg15[%dma_wait3A_547, %dma_wait3A_548, %dma_wait3A_549] : memref<8x8x129xf32, #tpu.memory_space<vmem>> -> memref<8x8x128xf32, #tpu.memory_space<vmem>>
        %dma_wait3A_551 = arith.constant 0 : i32
        %dma_wait3A_552 = arith.constant 0 : i32
        %dma_wait3A_553 = arith.constant 0 : i32
        %dma_wait3A_554 = tpu.memref_slice %arg5[%sub3A_546, %dma_wait3A_551, %add3A, %dma_wait3A_552, %dma_wait3A_553] : memref<200x8x32x8x128xf32, #tpu.memory_space<hbm>> -> memref<1x8x1x8x128xf32, #tpu.memory_space<hbm>>
        %dma_wait3A_555 = tpu.memref_squeeze %dma_wait3A_554 : memref<1x8x1x8x128xf32, #tpu.memory_space<hbm>> -> memref<8x8x128xf32, #tpu.memory_space<hbm>>
        %dma_wait3A_556 = arith.constant 0 : i32
        %dma_wait3A_557 = arith.constant 0 : i32
        %dma_wait3A_558 = arith.constant 0 : i32
        %dma_wait3A_559 = tpu.memref_slice %arg5[%sub3A_546, %dma_wait3A_556, %add3A, %dma_wait3A_557, %dma_wait3A_558] : memref<200x8x32x8x128xf32, #tpu.memory_space<hbm>> -> memref<1x8x1x8x128xf32, #tpu.memory_space<hbm>>
        %dma_wait3A_560 = tpu.memref_squeeze %dma_wait3A_559 : memref<1x8x1x8x128xf32, #tpu.memory_space<hbm>> -> memref<8x8x128xf32, #tpu.memory_space<hbm>>
        %dma_wait3A_561 = arith.constant 0 : i32
        %dma_wait3A_562 = arith.constant 0 : i32
        %dma_wait3A_563 = arith.constant 0 : i32
        %dma_wait3A_564 = tpu.memref_slice %arg15[%dma_wait3A_561, %dma_wait3A_562, %dma_wait3A_563] : memref<8x8x129xf32, #tpu.memory_space<vmem>> -> memref<8x8x128xf32, #tpu.memory_space<vmem>>
        tpu.wait_dma2 semaphore(%arg23 : memref<!tpu.dma_semaphore, #tpu.memory_space<semaphore_mem>>) src(%dma_wait3A_564 : memref<8x8x128xf32, #tpu.memory_space<vmem>>) dst(%dma_wait3A_560 : memref<8x8x128xf32, #tpu.memory_space<hbm>>)
      } else {
      }
      %get3A_505 = arith.index_cast %add3A_493 : i32 to index
      %get3A_506 = arith.constant 0 : index
      %get3A_507 = tpu.vector_load %arg7[%get3A_505, %get3A_506] {strides = array<i32>} : memref<200x64xf32, #tpu.memory_space<vmem>>, vector<16xf32>,
      %get3A_508 = arith.index_cast %add3A_493 : i32 to index
      %get3A_509 = arith.constant 16 : index
      %get3A_510 = tpu.vector_load %arg7[%get3A_508, %get3A_509] {strides = array<i32>} : memref<200x64xf32, #tpu.memory_space<vmem>>, vector<16xf32>,
      %get3A_511 = arith.index_cast %add3A_493 : i32 to index
      %get3A_512 = arith.constant 32 : index
      %get3A_513 = tpu.vector_load %arg7[%get3A_511, %get3A_512] {strides = array<i32>} : memref<200x64xf32, #tpu.memory_space<vmem>>, vector<16xf32>,
      %get3A_514 = arith.index_cast %add3A_493 : i32 to index
      %get3A_515 = arith.constant 48 : index
      %get3A_516 = tpu.vector_load %arg7[%get3A_514, %get3A_515] {strides = array<i32>} : memref<200x64xf32, #tpu.memory_space<vmem>>, vector<16xf32>,
      %parallel_loop3A_517 = arith.constant 0 : i32
      %parallel_loop3A_518 = arith.constant 128 : i32
      %parallel_loop3A_519 = arith.constant 1 : i32
      scf.for %parallel_loop3A_545 = %parallel_loop3A_517 to %parallel_loop3A_518 step %parallel_loop3A_519  : i32 {
        %parallel_loop3A_546 = vector.broadcast %parallel_loop3A_545 : i32 to vector<16xi32>
        %parallel_loop3A_547 = arith.index_cast %parallel_loop3A_545 : i32 to index
        %parallel_loop3A_548 = arith.constant 0 : index
        %parallel_loop3A_549 = tpu.vector_load %arg11[%parallel_loop3A_547, %parallel_loop3A_548] {strides = array<i32>} : memref<128x64xf32, #tpu.memory_space<vmem>>, vector<16xf32>,
        %parallel_loop3A_550 = arith.addf %parallel_loop3A_549, %get3A_507 : vector<16xf32>
        tpu.vector_store_idx %arg15[%select_n3A, %select_n3A_151, %parallel_loop3A_546], %parallel_loop3A_550 : memref<8x8x129xf32, #tpu.memory_space<vmem>>[vector<16xi32>, vector<16xi32>, vector<16xi32>], vector<16xf32>,
        %parallel_loop3A_551 = arith.index_cast %parallel_loop3A_545 : i32 to index
        %parallel_loop3A_552 = arith.constant 16 : index
        %parallel_loop3A_553 = tpu.vector_load %arg11[%parallel_loop3A_551, %parallel_loop3A_552] {strides = array<i32>} : memref<128x64xf32, #tpu.memory_space<vmem>>, vector<16xf32>,
        %parallel_loop3A_554 = arith.addf %parallel_loop3A_553, %get3A_510 : vector<16xf32>
        tpu.vector_store_idx %arg15[%select_n3A_60, %select_n3A_176, %parallel_loop3A_546], %parallel_loop3A_554 : memref<8x8x129xf32, #tpu.memory_space<vmem>>[vector<16xi32>, vector<16xi32>, vector<16xi32>], vector<16xf32>,
        %parallel_loop3A_555 = arith.index_cast %parallel_loop3A_545 : i32 to index
        %parallel_loop3A_556 = arith.constant 32 : index
        %parallel_loop3A_557 = tpu.vector_load %arg11[%parallel_loop3A_555, %parallel_loop3A_556] {strides = array<i32>} : memref<128x64xf32, #tpu.memory_space<vmem>>, vector<16xf32>,
        %parallel_loop3A_558 = arith.addf %parallel_loop3A_557, %get3A_513 : vector<16xf32>
        tpu.vector_store_idx %arg15[%select_n3A_94, %select_n3A_201, %parallel_loop3A_546], %parallel_loop3A_558 : memref<8x8x129xf32, #tpu.memory_space<vmem>>[vector<16xi32>, vector<16xi32>, vector<16xi32>], vector<16xf32>,
        %parallel_loop3A_559 = arith.index_cast %parallel_loop3A_545 : i32 to index
        %parallel_loop3A_560 = arith.constant 48 : index
        %parallel_loop3A_561 = tpu.vector_load %arg11[%parallel_loop3A_559, %parallel_loop3A_560] {strides = array<i32>} : memref<128x64xf32, #tpu.memory_space<vmem>>, vector<16xf32>,
        %parallel_loop3A_562 = arith.addf %parallel_loop3A_561, %get3A_516 : vector<16xf32>
        tpu.vector_store_idx %arg15[%select_n3A_128, %select_n3A_226, %parallel_loop3A_546], %parallel_loop3A_562 : memref<8x8x129xf32, #tpu.memory_space<vmem>>[vector<16xi32>, vector<16xi32>, vector<16xi32>], vector<16xf32>,
      } {sc.loop_unroll_factor = 4 : i64, sc.parallel_access}
      %dma_start3A_520 = arith.constant 0 : i32
      %dma_start3A_521 = arith.constant 0 : i32
      %dma_start3A_522 = arith.constant 0 : i32
      %dma_start3A_523 = tpu.memref_slice %arg15[%dma_start3A_520, %dma_start3A_521, %dma_start3A_522] : memref<8x8x129xf32, #tpu.memory_space<vmem>> -> memref<8x8x128xf32, #tpu.memory_space<vmem>>
      %dma_start3A_524 = arith.constant 0 : i32
      %dma_start3A_525 = arith.constant 0 : i32
      %dma_start3A_526 = arith.constant 0 : i32
      %dma_start3A_527 = tpu.memref_slice %arg5[%add3A_493, %dma_start3A_524, %add3A, %dma_start3A_525, %dma_start3A_526] : memref<200x8x32x8x128xf32, #tpu.memory_space<hbm>> -> memref<1x8x1x8x128xf32, #tpu.memory_space<hbm>>
      %dma_start3A_528 = tpu.memref_squeeze %dma_start3A_527 : memref<1x8x1x8x128xf32, #tpu.memory_space<hbm>> -> memref<8x8x128xf32, #tpu.memory_space<hbm>>
      %dma_start3A_529 = arith.constant 0 : i32
      %dma_start3A_530 = arith.constant 0 : i32
      %dma_start3A_531 = arith.constant 0 : i32
      %dma_start3A_532 = tpu.memref_slice %arg5[%add3A_493, %dma_start3A_529, %add3A, %dma_start3A_530, %dma_start3A_531] : memref<200x8x32x8x128xf32, #tpu.memory_space<hbm>> -> memref<1x8x1x8x128xf32, #tpu.memory_space<hbm>>
      %dma_start3A_533 = tpu.memref_squeeze %dma_start3A_532 : memref<1x8x1x8x128xf32, #tpu.memory_space<hbm>> -> memref<8x8x128xf32, #tpu.memory_space<hbm>>
      %dma_start3A_534 = arith.constant 0 : i32
      %dma_start3A_535 = arith.constant 0 : i32
      %dma_start3A_536 = arith.constant 0 : i32
      %dma_start3A_537 = tpu.memref_slice %arg15[%dma_start3A_534, %dma_start3A_535, %dma_start3A_536] : memref<8x8x129xf32, #tpu.memory_space<vmem>> -> memref<8x8x128xf32, #tpu.memory_space<vmem>>
      tpu.enqueue_dma source(%dma_start3A_537 : memref<8x8x128xf32, #tpu.memory_space<vmem>>) target(%dma_start3A_533 : memref<8x8x128xf32, #tpu.memory_space<hbm>>) target_semaphore(%arg23 : memref<!tpu.dma_semaphore, #tpu.memory_space<semaphore_mem>>)
      %add3A_538 = arith.constant 4 : i32
      %add3A_539 = arith.addi %add3A_493, %add3A_538 : i32
      %lt3A_540 = arith.constant 200 : i32
      %lt3A_541 = arith.cmpi slt, %add3A_539, %lt3A_540 : i32
      %convert_element_type3A_542 = arith.extui %lt3A_541 : i1 to i32
      %cond3A_543 = arith.constant 0 : i32
      %cond3A_544 = arith.cmpi ne, %convert_element_type3A_542, %cond3A_543 : i32
      scf.if %cond3A_544 {
        %add3A_545 = arith.constant 4 : i32
        %add3A_546 = arith.addi %add3A_493, %add3A_545 : i32
        %dma_start3A_547 = arith.constant 0 : i32
        %dma_start3A_548 = tpu.memref_slice %arg6[%add3A_546, %dma_start3A_547] : memref<200x128xi32, #tpu.memory_space<vmem>> -> memref<1x128xi32, #tpu.memory_space<vmem>>
        %dma_start3A_549 = tpu.memref_squeeze %dma_start3A_548 : memref<1x128xi32, #tpu.memory_space<vmem>> -> memref<128xi32, #tpu.memory_space<vmem>>
        %dma_start3A_550 = arith.constant 0 : i32
        %dma_start3A_551 = arith.constant 0 : i32
        %dma_start3A_552 = tpu.memref_slice %arg3[%dma_start3A_550, %dma_start3A_551] : memref<100000x64xf32, #tpu.memory_space<hbm>> -> memref<100000x64xf32, #tpu.memory_space<hbm>>
        tpu.enqueue_indirect_dma source(%dma_start3A_552 : memref<100000x64xf32, #tpu.memory_space<hbm>>) target(%arg11 : memref<128x64xf32, #tpu.memory_space<vmem>>) offsets(%dma_start3A_549 : memref<128xi32, #tpu.memory_space<vmem>>) semaphore(%arg19 : memref<!tpu.dma_semaphore, #tpu.memory_space<semaphore_mem>>)
      } else {
      }
    }
    %scan3A_257 = arith.constant 50 : i32
    %dma_wait3A = arith.constant 196 : i32
    %dma_wait3A_258 = arith.constant 0 : i32
    %dma_wait3A_259 = arith.constant 0 : i32
    %dma_wait3A_260 = arith.constant 0 : i32
    %dma_wait3A_261 = tpu.memref_slice %arg12[%dma_wait3A_258, %dma_wait3A_259, %dma_wait3A_260] : memref<8x8x129xf32, #tpu.memory_space<vmem>> -> memref<8x8x128xf32, #tpu.memory_space<vmem>>
    %dma_wait3A_262 = arith.constant 0 : i32
    %dma_wait3A_263 = arith.constant 0 : i32
    %dma_wait3A_264 = arith.constant 0 : i32
    %dma_wait3A_265 = tpu.memref_slice %arg5[%dma_wait3A, %dma_wait3A_262, %add3A, %dma_wait3A_263, %dma_wait3A_264] : memref<200x8x32x8x128xf32, #tpu.memory_space<hbm>> -> memref<1x8x1x8x128xf32, #tpu.memory_space<hbm>>
    %dma_wait3A_266 = tpu.memref_squeeze %dma_wait3A_265 : memref<1x8x1x8x128xf32, #tpu.memory_space<hbm>> -> memref<8x8x128xf32, #tpu.memory_space<hbm>>
    %dma_wait3A_267 = arith.constant 0 : i32
    %dma_wait3A_268 = arith.constant 0 : i32
    %dma_wait3A_269 = arith.constant 0 : i32
    %dma_wait3A_270 = tpu.memref_slice %arg5[%dma_wait3A, %dma_wait3A_267, %add3A, %dma_wait3A_268, %dma_wait3A_269] : memref<200x8x32x8x128xf32, #tpu.memory_space<hbm>> -> memref<1x8x1x8x128xf32, #tpu.memory_space<hbm>>
    %dma_wait3A_271 = tpu.memref_squeeze %dma_wait3A_270 : memref<1x8x1x8x128xf32, #tpu.memory_space<hbm>> -> memref<8x8x128xf32, #tpu.memory_space<hbm>>
    %dma_wait3A_272 = arith.constant 0 : i32
    %dma_wait3A_273 = arith.constant 0 : i32
    %dma_wait3A_274 = arith.constant 0 : i32
    %dma_wait3A_275 = tpu.memref_slice %arg12[%dma_wait3A_272, %dma_wait3A_273, %dma_wait3A_274] : memref<8x8x129xf32, #tpu.memory_space<vmem>> -> memref<8x8x128xf32, #tpu.memory_space<vmem>>
    tpu.wait_dma2 semaphore(%arg20 : memref<!tpu.dma_semaphore, #tpu.memory_space<semaphore_mem>>) src(%dma_wait3A_275 : memref<8x8x128xf32, #tpu.memory_space<vmem>>) dst(%dma_wait3A_271 : memref<8x8x128xf32, #tpu.memory_space<hbm>>)
    %dma_wait3A_276 = arith.constant 197 : i32
    %dma_wait3A_277 = arith.constant 0 : i32
    %dma_wait3A_278 = arith.constant 0 : i32
    %dma_wait3A_279 = arith.constant 0 : i32
    %dma_wait3A_280 = tpu.memref_slice %arg13[%dma_wait3A_277, %dma_wait3A_278, %dma_wait3A_279] : memref<8x8x129xf32, #tpu.memory_space<vmem>> -> memref<8x8x128xf32, #tpu.memory_space<vmem>>
    %dma_wait3A_281 = arith.constant 0 : i32
    %dma_wait3A_282 = arith.constant 0 : i32
    %dma_wait3A_283 = arith.constant 0 : i32
    %dma_wait3A_284 = tpu.memref_slice %arg5[%dma_wait3A_276, %dma_wait3A_281, %add3A, %dma_wait3A_282, %dma_wait3A_283] : memref<200x8x32x8x128xf32, #tpu.memory_space<hbm>> -> memref<1x8x1x8x128xf32, #tpu.memory_space<hbm>>
    %dma_wait3A_285 = tpu.memref_squeeze %dma_wait3A_284 : memref<1x8x1x8x128xf32, #tpu.memory_space<hbm>> -> memref<8x8x128xf32, #tpu.memory_space<hbm>>
    %dma_wait3A_286 = arith.constant 0 : i32
    %dma_wait3A_287 = arith.constant 0 : i32
    %dma_wait3A_288 = arith.constant 0 : i32
    %dma_wait3A_289 = tpu.memref_slice %arg5[%dma_wait3A_276, %dma_wait3A_286, %add3A, %dma_wait3A_287, %dma_wait3A_288] : memref<200x8x32x8x128xf32, #tpu.memory_space<hbm>> -> memref<1x8x1x8x128xf32, #tpu.memory_space<hbm>>
    %dma_wait3A_290 = tpu.memref_squeeze %dma_wait3A_289 : memref<1x8x1x8x128xf32, #tpu.memory_space<hbm>> -> memref<8x8x128xf32, #tpu.memory_space<hbm>>
    %dma_wait3A_291 = arith.constant 0 : i32
    %dma_wait3A_292 = arith.constant 0 : i32
    %dma_wait3A_293 = arith.constant 0 : i32
    %dma_wait3A_294 = tpu.memref_slice %arg13[%dma_wait3A_291, %dma_wait3A_292, %dma_wait3A_293] : memref<8x8x129xf32, #tpu.memory_space<vmem>> -> memref<8x8x128xf32, #tpu.memory_space<vmem>>
    tpu.wait_dma2 semaphore(%arg21 : memref<!tpu.dma_semaphore, #tpu.memory_space<semaphore_mem>>) src(%dma_wait3A_294 : memref<8x8x128xf32, #tpu.memory_space<vmem>>) dst(%dma_wait3A_290 : memref<8x8x128xf32, #tpu.memory_space<hbm>>)
    %dma_wait3A_295 = arith.constant 198 : i32
    %dma_wait3A_296 = arith.constant 0 : i32
    %dma_wait3A_297 = arith.constant 0 : i32
    %dma_wait3A_298 = arith.constant 0 : i32
    %dma_wait3A_299 = tpu.memref_slice %arg14[%dma_wait3A_296, %dma_wait3A_297, %dma_wait3A_298] : memref<8x8x129xf32, #tpu.memory_space<vmem>> -> memref<8x8x128xf32, #tpu.memory_space<vmem>>
    %dma_wait3A_300 = arith.constant 0 : i32
    %dma_wait3A_301 = arith.constant 0 : i32
    %dma_wait3A_302 = arith.constant 0 : i32
    %dma_wait3A_303 = tpu.memref_slice %arg5[%dma_wait3A_295, %dma_wait3A_300, %add3A, %dma_wait3A_301, %dma_wait3A_302] : memref<200x8x32x8x128xf32, #tpu.memory_space<hbm>> -> memref<1x8x1x8x128xf32, #tpu.memory_space<hbm>>
    %dma_wait3A_304 = tpu.memref_squeeze %dma_wait3A_303 : memref<1x8x1x8x128xf32, #tpu.memory_space<hbm>> -> memref<8x8x128xf32, #tpu.memory_space<hbm>>
    %dma_wait3A_305 = arith.constant 0 : i32
    %dma_wait3A_306 = arith.constant 0 : i32
    %dma_wait3A_307 = arith.constant 0 : i32
    %dma_wait3A_308 = tpu.memref_slice %arg5[%dma_wait3A_295, %dma_wait3A_305, %add3A, %dma_wait3A_306, %dma_wait3A_307] : memref<200x8x32x8x128xf32, #tpu.memory_space<hbm>> -> memref<1x8x1x8x128xf32, #tpu.memory_space<hbm>>
    %dma_wait3A_309 = tpu.memref_squeeze %dma_wait3A_308 : memref<1x8x1x8x128xf32, #tpu.memory_space<hbm>> -> memref<8x8x128xf32, #tpu.memory_space<hbm>>
    %dma_wait3A_310 = arith.constant 0 : i32
    %dma_wait3A_311 = arith.constant 0 : i32
    %dma_wait3A_312 = arith.constant 0 : i32
    %dma_wait3A_313 = tpu.memref_slice %arg14[%dma_wait3A_310, %dma_wait3A_311, %dma_wait3A_312] : memref<8x8x129xf32, #tpu.memory_space<vmem>> -> memref<8x8x128xf32, #tpu.memory_space<vmem>>
    tpu.wait_dma2 semaphore(%arg22 : memref<!tpu.dma_semaphore, #tpu.memory_space<semaphore_mem>>) src(%dma_wait3A_313 : memref<8x8x128xf32, #tpu.memory_space<vmem>>) dst(%dma_wait3A_309 : memref<8x8x128xf32, #tpu.memory_space<hbm>>)
    %dma_wait3A_314 = arith.constant 199 : i32
    %dma_wait3A_315 = arith.constant 0 : i32
    %dma_wait3A_316 = arith.constant 0 : i32
    %dma_wait3A_317 = arith.constant 0 : i32
    %dma_wait3A_318 = tpu.memref_slice %arg15[%dma_wait3A_315, %dma_wait3A_316, %dma_wait3A_317] : memref<8x8x129xf32, #tpu.memory_space<vmem>> -> memref<8x8x128xf32, #tpu.memory_space<vmem>>
    %dma_wait3A_319 = arith.constant 0 : i32
    %dma_wait3A_320 = arith.constant 0 : i32
    %dma_wait3A_321 = arith.constant 0 : i32
    %dma_wait3A_322 = tpu.memref_slice %arg5[%dma_wait3A_314, %dma_wait3A_319, %add3A, %dma_wait3A_320, %dma_wait3A_321] : memref<200x8x32x8x128xf32, #tpu.memory_space<hbm>> -> memref<1x8x1x8x128xf32, #tpu.memory_space<hbm>>
    %dma_wait3A_323 = tpu.memref_squeeze %dma_wait3A_322 : memref<1x8x1x8x128xf32, #tpu.memory_space<hbm>> -> memref<8x8x128xf32, #tpu.memory_space<hbm>>
    %dma_wait3A_324 = arith.constant 0 : i32
    %dma_wait3A_325 = arith.constant 0 : i32
    %dma_wait3A_326 = arith.constant 0 : i32
    %dma_wait3A_327 = tpu.memref_slice %arg5[%dma_wait3A_314, %dma_wait3A_324, %add3A, %dma_wait3A_325, %dma_wait3A_326] : memref<200x8x32x8x128xf32, #tpu.memory_space<hbm>> -> memref<1x8x1x8x128xf32, #tpu.memory_space<hbm>>
    %dma_wait3A_328 = tpu.memref_squeeze %dma_wait3A_327 : memref<1x8x1x8x128xf32, #tpu.memory_space<hbm>> -> memref<8x8x128xf32, #tpu.memory_space<hbm>>
    %dma_wait3A_329 = arith.constant 0 : i32
    %dma_wait3A_330 = arith.constant 0 : i32
    %dma_wait3A_331 = arith.constant 0 : i32
    %dma_wait3A_332 = tpu.memref_slice %arg15[%dma_wait3A_329, %dma_wait3A_330, %dma_wait3A_331] : memref<8x8x129xf32, #tpu.memory_space<vmem>> -> memref<8x8x128xf32, #tpu.memory_space<vmem>>
    tpu.wait_dma2 semaphore(%arg23 : memref<!tpu.dma_semaphore, #tpu.memory_space<semaphore_mem>>) src(%dma_wait3A_332 : memref<8x8x128xf32, #tpu.memory_space<vmem>>) dst(%dma_wait3A_328 : memref<8x8x128xf32, #tpu.memory_space<hbm>>)
    return
  }
}

</mosaic_0001>

<sc_bundles>
// kernel: kernel.3.cloned.1.call-start
scs
__scs_entry_jumppad:
0x0: {  	(pc) =	sbr.rel $0x88, $3  }
0x1: {  	(tag) =	ssettag $0x0;
	lr =	simm.s32 $0x1  }
0x2: {  	[smem:$0x3F9E] =	sst lr;
	_ =	strace $0xD0000000  }
0x3: {  	_ = 	snop  }
0x4: {  	_ = 	snop  }
0x5: {  	_ = 	snop  }
0x6: {  	_ = 	snop  }
0x7: {  	_ = 	snop  }
__scs_overlays_trampoline_lowered:
0x8: {  	[smem:$0x3FAD] =	sst s0  }
0x9: {  	[smem:$0x3FAE] =	sst s1  }
0xa: {  	[smem:$0x3FAF] =	sst s2  }
0xb: {  	[smem:$0x3FB0] =	sst s3  }
0xc: {  	[smem:$0x3FB1] =	sst s4  }
0xd: {  	[smem:$0x3FB2] =	sst s5  }
0xe: {  	[smem:$0x3FB3] =	sst s6  }
0xf: {  	[smem:$0x3FB4] =	sst s7  }
0x10: {  	[smem:$0x3FB5] =	sst s8  }
0x11: {  	[smem:$0x3FB6] =	sst s9;
	s0 =	simm.s32 @!p0 $0x0  }
0x12: {  	s1 =	sld [smem:$0x3F9C];
	s0 =	simm.s32 @p0 $0x1  }
0x13: {  	[smem:$0x3FB7] =	sst s0;
	s0 =	simm.s32 @!p1 $0x0  }
0x14: {  	s2 =	sld [smem:$0x3F9B];
	s0 =	simm.s32 @p1 $0x1  }
0x15: {  	[smem:$0x3FB8] =	sst s0;
	s0 =	simm.s32 @!p2 $0x0  }
0x16: {  	s3 =	sld [smem:$0x3FDB];
	s0 =	simm.s32 @p2 $0x1  }
0x17: {  	s4 =	simm.s32 $0x1BF5;
	[smem:$0x3FBA] =	sst s0  }
0x18: {  	s0 =	sld [smem:$0x3F9D];
	_ =	swait.ge [sflag:s4], $0x0  }
0x19: {  	s7 =	sld [smem:$0x3F9E]  }
0x1a: {  	s8 =	sadd.s32 $0xFFFFE003, lr  }
0x1b: {  	s9 =	sadd.s32 $0xFFFFFEF7, lr;
	s5 =	simm.s32 $0xFFFFFFFF;
	p2 =	slt.u32 s8, $0xFFFFF086  }
0x1c: {  	p1 =	slt.u32 s9, $0xF7A;
	s5 =	simm.s32 @!p2 $0x0  }
0x1d: {  	s5 =	simm.s32 @p1 $0x1;
	p0 =	seq.s32 s7, s2  }
0x1e: {  	s7 =	smul.u32 @!p0 $0xF7A, s2;
	p2 =	seq.s32 @!p0 s5, $0x0  }
0x1f: {  	s9 =	smul.u32 $0xF7A, s1;
	s8 =	simm.s32 @!p0 $0x1BF5;
	p2 =	por !p2, p0  }
0x20: {  	[sflag:s8] =	ssyncset.s32 @!p0 $0xFFFFF086;
	s6 =	sadd.s32 @!p0 s3, s7;
	s7 =	simm.s32 @!p0 $0x108  }
0x21: {  	s3 =	sadd.s32 s3, s9;
	s6 =	sadd.s32 @!p0 $0x88, s6;
	s7 =	simm.s32 @p2 $0x1082  }
0x22: {  	[simem:s7], [sflag:s8] =	dma.local @!p0 [hbm:s6], $0xF7A  }
0x23: {  	s9 =	sor.u32 $0xD0000000, s2;
	s6 =	simm.s32 $0x108;
	_ =	swait.ge @!p0 [sflag:s8], $0x0  }
0x24: {  	s3 =	sadd.s32 $0x88, s3;
	s6 =	simm.s32 @!p1 $0x1082;
	[sflag:s4] =	ssyncset.s32 $0xFFFFF086  }
0x25: {  	[simem:s6], [sflag:s4] =	dma.local [hbm:s3], $0xF7A  }
0x26: {  	[smem:$0x3F9E] =	sst s1;
	(tag) =	ssettag s2;
	_ =	strace s9  }
0x27: {  	s1 =	sld [smem:$0x3FAE]  }
0x28: {  	s2 =	sld [smem:$0x3FAF]  }
0x29: {  	s4 =	sld [smem:$0x3FB1]  }
0x2a: {  	p0 =	seq.s32 s5, $0x0;
	s5 =	sld [smem:$0x3FB2]  }
0x2b: {  	s6 =	sld [smem:$0x3FB3]  }
0x2c: {  	s7 =	sld [smem:$0x3FB4]  }
0x2d: {  	s3 =	simm.s32 $0x108;
	s8 =	sld [smem:$0x3FB5]  }
0x2e: {  	s3 =	simm.s32 @!p0 $0x1082;
	s9 =	sld [smem:$0x3FB6]  }
0x2f: {  	lr =	sadd.s32 s0, s3;
	s0 =	sld [smem:$0x3FAD]  }
0x30: {  	s3 =	sld [smem:$0x3FB0]  }
0x31: {  	[smem:$0x3FB9] =	sst s10  }
0x32: {  	s10 =	sld [smem:$0x3FB7];
	_ =	sdelay $0x3  }
0x33: {  	p0 =	seq.s32 s10, $0x1;
	s10 =	sld [smem:$0x3FB9];
	_ =	sdelay $0x3  }
0x34: {  	[smem:$0x3FB9] =	sst s10  }
0x35: {  	s10 =	sld [smem:$0x3FB8];
	_ =	sdelay $0x3  }
0x36: {  	p1 =	seq.s32 s10, $0x1;
	s10 =	sld [smem:$0x3FB9];
	_ =	sdelay $0x3  }
0x37: {  	[smem:$0x3FB9] =	sst s10  }
0x38: {  	s10 =	sld [smem:$0x3FBA]  }
0x39: {  	_ = 	snop;
	(pc) =	sbr.ind lr, $3  }
0x3a: {  	_ = 	snop  }
0x3b: {  	_ = 	snop  }
0x3c: {  	p2 =	seq.s32 s10, $0x1;
	s10 =	sld [smem:$0x3FB9]  }
0x3d: {  	_ =	shalt  }
0x3e: {  	_ =	shalt  }
0x3f: {  	_ =	shalt  }
0x40: {  	_ =	shalt  }
0x41: {  	_ =	shalt  }
0x42: {  	_ =	shalt  }
0x43: {  	_ =	shalt  }
0x44: {  	_ =	shalt  }
0x45: {  	_ =	shalt  }
0x46: {  	_ =	shalt  }
0x47: {  	_ =	shalt  }
0x48: {  	_ =	shalt  }
0x49: {  	_ =	shalt  }
0x4a: {  	_ =	shalt  }
0x4b: {  	_ =	shalt  }
0x4c: {  	_ =	shalt  }
0x4d: {  	_ =	shalt  }
0x4e: {  	_ =	shalt  }
0x4f: {  	_ =	shalt  }
0x50: {  	_ =	shalt  }
0x51: {  	_ =	shalt  }
0x52: {  	_ =	shalt  }
0x53: {  	_ =	shalt  }
0x54: {  	_ =	shalt  }
0x55: {  	_ =	shalt  }
0x56: {  	_ =	shalt  }
0x57: {  	_ =	shalt  }
0x58: {  	_ =	shalt  }
0x59: {  	_ =	shalt  }
0x5a: {  	_ =	shalt  }
0x5b: {  	_ =	shalt  }
0x5c: {  	_ =	shalt  }
0x5d: {  	_ =	shalt  }
0x5e: {  	_ =	shalt  }
0x5f: {  	_ =	shalt  }
0x60: {  	_ =	shalt  }
0x61: {  	_ =	shalt  }
0x62: {  	_ =	shalt  }
0x63: {  	_ =	shalt  }
0x64: {  	_ =	shalt  }
0x65: {  	_ =	shalt  }
0x66: {  	_ =	shalt  }
0x67: {  	_ =	shalt  }
0x68: {  	_ =	shalt  }
0x69: {  	_ =	shalt  }
0x6a: {  	_ =	shalt  }
0x6b: {  	_ =	shalt  }
0x6c: {  	_ =	shalt  }
0x6d: {  	_ =	shalt  }
0x6e: {  	_ =	shalt  }
0x6f: {  	_ =	shalt  }
0x70: {  	_ =	shalt  }
0x71: {  	_ =	shalt  }
0x72: {  	_ =	shalt  }
0x73: {  	_ =	shalt  }
0x74: {  	_ =	shalt  }
0x75: {  	_ =	shalt  }
0x76: {  	_ =	shalt  }
0x77: {  	_ =	shalt  }
0x78: {  	_ =	shalt  }
0x79: {  	_ =	shalt  }
0x7a: {  	_ =	shalt  }
0x7b: {  	_ =	shalt  }
0x7c: {  	_ =	shalt  }
0x7d: {  	_ =	shalt  }
0x7e: {  	_ =	shalt  }
0x7f: {  	_ =	shalt  }
0x80: {  	_ =	shalt  }
0x81: {  	_ =	shalt  }
0x82: {  	_ =	shalt  }
0x83: {  	_ =	shalt  }
0x84: {  	_ =	shalt  }
0x85: {  	_ =	shalt  }
0x86: {  	_ =	shalt  }
0x87: {  	_ =	shalt  }
.Lfunc_end0:
.L_simem_size_0:
called_computation_lowered:
.L_overlay_start_0:
0x88: {  	s2 =	sld [smem:$0x3FD9]  }
0x89: {  	s3 =	sld [smem:$0x3FFE];
	_ =	sdelay $0x1  }
0x8a: {  	s1 =	srdreg.scid  }
0x8b: {  	s0 =	sand.u32 $0x1, s1  }
0x8c: {  	s17 =	sshll.u32 s0, $0xA;
	s2 =	sadd.s32 s3, s2  }
0x8d: {  	s2 =	sadd.s32 s2, s17  }
0x8e: {  	[smem:$0x3FC5] =	sst s2  }
0x8f: {  	_ = 	snop  }
0x90: {  	s2 =	sld [smem:$0x3FD0];
	(tm) =	ssettm $0x1  }
0x91: {  	s18 =	sld [smem:$0x3FFB];
	_ =	sdelay $0x3  }
0x92: {  	_ =	strace s18  }
0x93: {  	s3 =	sld [smem:$0x3FFC];
	_ =	sdelay $0x3  }
0x94: {  	_ =	strace s3  }
0x95: {  	s3 =	sld [smem:$0x3FFD];
	_ =	sdelay $0x3  }
0x96: {  	_ =	strace s3  }
0x97: {  	_ =	strace $0x8FFFFFFF  }
0x98: {  	s19 =	sld [smem:$0x3FDB];
	_ =	sdelay $0x1  }
0x99: {  	s4 =	simm.s32 $_scs_section_size  }
0x9a: {  	s5 =	simm.s32 $_size__tile_overlayer_lowered;
	s6 =	simm.s32 $_tile_overlayer_lowered  }
0x9b: {  	s22 =	simm.s32 $0x1BFF;
	s21 =	sshll.u32 s6, $0x1;
	s3 =	sadd.s32 s4, s19  }
0x9c: {  	s7 =	simm.s32 $0x0;
	s20 =	sshll.u32 s5, $0x1;
	s5 =	sadd.s32 s21, s3  }
0x9d: {  	[timem:s7], [sflag:s22] =	dma.local [hbm:s5], s20  }
0x9e: {  	_ =	swait.ge [sflag:s22], s20  }
0x9f: {  	s4 =	ssub.s32 $0x0, s20;
	[sflag:s22] =	ssyncset.done $0x0  }
0xa0: {  	[sflag:s22] =	ssyncadd.s32 s4;
	_ =	sdelay $0x1  }
0xa1: {  	s23 =	simm.s32 $0x1B8B  }
0xa2: {  	_ =	swait.ge [sflag:s23], $0x1  }
0xa3: {  	[sflag:s23] =	ssyncset.done $0x0  }
0xa4: {  	s25 =	simm.s32 $0x1B8E;
	s24 =	sld [smem:$0x3FFE];
	[sflag:s23] =	ssyncadd.s32 $0xFFFFFFFF  }
0xa5: {  	s26 =	simm.s32 $execute0_lowered;
	[smem:$0x3FD2] =	sst s25  }
0xa6: {  	s5 =	sshll.u32 s26, $0x1;
	_ =	strace $0x80000046;
	[dreg:$0x1] =	wrdreg $0xFFFFFFFF  }
0xa7: {  	s28 =	simm.s32 $_size_execute0_lowered;
	s3 =	sadd.s32 s3, s5;
	[dreg:$0x0] =	wrdreg $0x0  }
0xa8: {  	s5 =	sshll.u32 s28, $0x1;
	[dreg:$0x2] =	wrdreg s3  }
0xa9: {  	[dreg:$0x3] =	wrdreg s5  }
0xaa: {  	[dreg:$0x4] =	wrdreg $0xC0  }
0xab: {  	_ =	task [dreg:s7], $0x5FFFF  }
0xac: {  	[dreg:$0x1] =	wrdreg $0xFFFFFFFF  }
0xad: {  	[dreg:$0x0] =	wrdreg $0x60  }
0xae: {  	[dreg:$0x2] =	wrdreg s24  }
0xaf: {  	[dreg:$0x3] =	wrdreg s2  }
0xb0: {  	[dreg:$0x4] =	wrdreg $0x9  }
0xb1: {  	_ =	task.clear_ibuf [dreg:s7], $0x5FFFF;
	_ =	strace $0x90000046  }
0xb2: {  	s29 =	simm.s32 $0x9;
	_ =	strace $0x80000048  }
0xb3: {  	_ =	swait.ge [sflag:s29], $0x1  }
0xb4: {  	[sflag:s29] =	ssyncadd.s32 $0xFFFFFFFF  }
0xb5: {  	_ =	strace $0x90000048  }
0xb6: {  	_ =	sfence  }
0xb7: {  	s30 =	sld [smem:$0x0];
	_ =	sdelay $0x2  }
0xb8: {  	s31 =	sshll.u32 s1, $0xD;
	s1 =	sshrl.u32 s1, $0x2  }
0xb9: {  	s3 =	sand.u32 $0x4000, s31;
	s1 =	sadd.s32 s1, s30  }
0xba: {  	s0 =	sor.u32 s3, s0;
	s1 =	sshll.u32 s1, $0x11  }
0xbb: {  	s0 =	sor.u32 s1, s0  }
0xbc: {  	s0 =	sadd.s32 $0x8F2B, s0  }
0xbd: {  	[sflag:s0] =	ssyncadd.remote.s32 $0x1  }
0xbe: {  	_ =	sfence.sel $0xFFFF  }
0xbf: {  	[dreg:$0x0] =	wrdreg $0xFFFFFFFF;
	(pc) =	sbr.abs _section_cstart, $3  }
0xc0: {  	[dreg:$0x1] =	wrdreg $0xFFFFFFFF  }
0xc1: {  	_ =	task.clear_ibuf [dreg:s7], $0x2FFFF;
	_ =	strace $0x9FFFFFFF  }
0xc2: {  	(tm) =	ssettm $0x7FFFFFFF  }
0xc3: {  	_ =	shalt  }
tec
execute0_lowered:
.L_overlay_start_1:
0x0: {  	(tag) =	ssettag $0x1  }
0x1: {  	s0 =	rddreg [dreg:$0x0]  }
0x2: {  	s1 =	srdreg.scid;
	s3 =	stileid.u32  }
0x3: {  	s2 =	rddreg [dreg:$0x1];
	s10 =	simm.s32 $0x9;
	s11 =	simm.s32 $0x80  }
0x4: {  	s18 =	simm.s32 $0xF600;
	s19 =	simm.s32 $0x1;
	s20 =	simm.s32 $0x11600  }
0x5: {  	s21 =	simm.s32 $0x2;
	s22 =	simm.s32 $0x13800;
	s23 =	simm.s32 $0x3  }
0x6: {  	s24 =	simm.s32 $0x15A00;
	s28 =	simm.s32 $0x5;
	s29 =	simm.s32 $0x6  }
0x7: {  	s30 =	simm.s32 $0x7;
	s1 =	sand.u32 $0x1, s1;
	s4 =	sshll.u32 s3, $0x1  }
0x8: {  	s31 =	simm.s32 $0x8;
	s3 =	simm.s32 $0x0;
	s7 =	sor.u32 s1, s4  }
0x9: {  	[smem:$0x7FF] =	sst s3;
	s1 =	ssub.s32 $0x2, s1;
	s4 =	sshll.u32 s7, $0x4  }
.Ltmp0:
0xa: {  	_ =	strace $0x80000047;
	s25 =	sshrl.u32 s1, $0x1;
	(pc) =	sbr.rel .LBB2_1-.Ltmp0, $4  }
0xb: {  	v0 =	vlaneseq.u32;
	s6 =	sadd.s32 s4, s0;
	s4 =	sadd.s32 $0x19C00, s0;
	s0 =	sadd.s32 $0x400, s0  }
0xc: {  	v0 =	vmul.u32 $0x88, v0;
	s7 =	sshll.u32 s7, $0xA;
	[dreg:$0x3] =	wrdreg s0;
	s0 =	ssub.s32 s1, s25  }
0xd: {  	s26 =	sadd.s32 $0xC00, s6;
	s25 =	simm.s32 $0x4;
	s1 =	simm.s32 $0x0  }
0xe: {  	v1 =	vadd.s32 $0x880, v0;
	v2 =	vadd.s32 $0x1100, v0;
	v3 =	vadd.s32 $0x1980, v0;
	[dreg:$0x4] =	wrdreg s26;
	s8 =	smax.u32 s0, $0x1;
	s26 =	simm.s32 $0x17C00  }
.LBB2_20:
0xf: {  	_ =	swait.ge [sflag:s28], $0x2000  }
0x10: {  	[sflag:s28] =	ssyncset.done $0x0  }
0x11: {  	[sflag:s28] =	ssyncadd.s32 $0xFFFFE000  }
0x12: {  	_ =	swait.ge [sflag:s29], $0x2000  }
0x13: {  	[sflag:s29] =	ssyncset.done $0x0  }
0x14: {  	s1 =	sadd.s32 $0x1, s1;
	[sflag:s29] =	ssyncadd.s32 $0xFFFFE000  }
0x15: {  	p0 =	sne.s32 s1, s8;
	_ =	swait.ge [sflag:s30], $0x2000  }
.Ltmp1:
0x16: {  	[sflag:s30] =	ssyncset.done $0x0;
	(pc) =	sbr.rel @!p0 .LBB2_21-.Ltmp1, $4  }
0x17: {  	[sflag:s30] =	ssyncadd.s32 $0xFFFFE000  }
0x18: {  	_ =	swait.ge [sflag:s31], $0x2000  }
0x19: {  	[sflag:s31] =	ssyncset.done $0x0  }
0x1a: {  	[sflag:s31] =	ssyncadd.s32 $0xFFFFE000  }
.LBB2_1:
0x1b: {  	s0 =	rddreg [dreg:$0x3];
	s5 =	simm.s32 $0x6400  }
0x1c: {  	[tilespmem:s5], [sflag:$0x9] =	stream.linear.gather [hbm4b:s0+s3], $0x3200, $0x38;
	[tilespmem:$0x19E00] =	vst v63  }
0x1d: {  	_ =	swait.ge [sflag:s10], $0x3200  }
0x1e: {  	[sflag:s10] =	ssyncset.done $0x0  }
0x1f: {  	s12 =	simm.s32 $0x1000;
	s9 =	rddreg [dreg:$0x4];
	[sflag:s10] =	ssyncadd.s32 $0xFFFFCE00  }
0x20: {  	[tilespmem:s3], [sflag:$0x9] =	stream.strided.gather [hbm4b:s9+s11], $0x6400, s12, s11, $0x38;
	[tilespmem:$0x19E00] =	vst v63  }
0x21: {  	_ =	swait.ge [sflag:s10], $0x6400  }
0x22: {  	[sflag:s10] =	ssyncset.done $0x0  }
0x23: {  	s13 =	simm.s32 $0x9600;
	[sflag:s10] =	ssyncadd.s32 $0xFFFF9C00  }
0x24: {  	[tilespmem:s13], [sflag:$0x1] =	stream.indirect.gather [hbm4b:s4+s11], $0x40, s3, s11, $0xb8;
	[tilespmem:$0x19E00] =	vst v63  }
0x25: {  	s14 =	simm.s32 $0xB600  }
0x26: {  	[tilespmem:s14], [sflag:$0x2] =	stream.indirect.gather [hbm4b:s4+s11], $0x40, s11, s11, $0xb8;
	[tilespmem:$0x19E00] =	vst v63  }
0x27: {  	s15 =	simm.s32 $0x100;
	s16 =	simm.s32 $0xD600  }
0x28: {  	[tilespmem:s16], [sflag:$0x3] =	stream.indirect.gather [hbm4b:s4+s11], $0x40, s15, s11, $0xb8;
	[tilespmem:$0x19E00] =	vst v63  }
0x29: {  	s17 =	simm.s32 $0x180;
	s0 =	simm.s32 $0x0  }
0x2a: {  	[tilespmem:s18], [sflag:$0x4] =	stream.indirect.gather [hbm4b:s4+s11], $0x40, s17, s11, $0xb8;
	[tilespmem:$0x19E00] =	vst v63  }
.LBB2_2:
0x2b: {  	_ =	swait.ge [sflag:s19], $0x2000  }
0x2c: {  	p0 =	seq.s32 s0, $0x0;
	[sflag:s19] =	ssyncset.done $0x0  }
0x2d: {  	s9 =	simm.s32 @!p0 $0x5;
	[sflag:s19] =	ssyncadd.s32 $0xFFFFE000  }
0x2e: {  	_ =	swait.ge @!p0 [sflag:s9], $0x2000  }
0x2f: {  	s12 =	sshll.u32 s0, $0x8;
	[sflag:s9] =	ssyncset.done @!p0 $0x0  }
0x30: {  	s12 =	sand.u32 $0x3FFFFF00, s12;
	[sflag:s9] =	ssyncadd.s32 @!p0 $0xFFFFE000  }
0x31: {  	s13 =	simm.s32 $0x3;
	s9 =	simm.s32 $0x9680;
	v9 =	vld [tilespmem:s12+$0x6400]  }
0x32: {  	v4 =	vmov s13;
	v7 =	vld [tilespmem:s9+$0x40]  }
0x33: {  	v13 =	vand.u32 $0x7F, v4  }
0x34: {  	s5 =	simm.s32 $0x0;
	v8 =	vadd.s32 v0, v13;
	v6 =	vld [tilespmem:s12+$0x6410]  }
0x35: {  	s6 =	simm.s32 $0x1;
	s14 =	simm.s32 $0x2;
	v4 =	vmov s5;
	v10 =	vld [tilespmem:s9+$0xFFFFFF80]  }
0x36: {  	v14 =	vmov s14;
	v12 =	vand.u32 $0x7C, v4;
	v4 =	vmov s6;
	v11 =	vld [tilespmem:s9+$0xFFFFFFC0]  }
0x37: {  	v15 =	vadd.s32 v0, v12;
	v19 =	vand.u32 $0x7D, v4;
	v16 =	vld [tilespmem:s9+$0x0];
	v7 =	vadd.f32 v7, v9  }
0x38: {  	v20 =	vand.u32 $0x7E, v14;
	v17 =	vadd.s32 v0, v19;
	v5 =	vld [tilespmem:s12+$0x6420]  }
0x39: {  	v14 =	vadd.s32 v0, v20;
	v4 =	vld [tilespmem:s12+$0x6430];
	[tilespmem:v8+s20+$0x0] =	vst.idx.msk $0xffff, v7  }
0x3a: {  	v7 =	vadd.f32 v10, v9;
	v8 =	vld [tilespmem:s9+$0x50]  }
0x3b: {  	v10 =	vadd.f32 v11, v9  }
0x3c: {  	v11 =	vadd.s32 v1, v13;
	[tilespmem:v15+s20+$0x0] =	vst.idx.msk $0xffff, v7;
	v7 =	vadd.f32 v16, v9  }
0x3d: {  	[tilespmem:v17+s20+$0x0] =	vst.idx.msk $0xffff, v10;
	v15 =	vld [tilespmem:s9+$0xFFFFFF90]  }
0x3e: {  	v10 =	vld [tilespmem:s9+$0xFFFFFFD0];
	[tilespmem:v14+s20+$0x0] =	vst.idx.msk $0xffff, v7  }
0x3f: {  	v14 =	vld [tilespmem:s9+$0x10];
	v7 =	vadd.f32 v8, v6  }
0x40: {  	s15 =	simm.s32 $0x7;
	s12 =	simm.s32 $0x9780;
	v16 =	vadd.s32 v1, v19  }
0x41: {  	s14 =	simm.s32 $0x4;
	v26 =	vadd.s32 v2, v13;
	v18 =	vld [tilespmem:s12+$0x40];
	v17 =	vadd.s32 v1, v20;
	[tilespmem:v11+s20+$0x0] =	vst.idx.msk $0xffff, v7;
	v7 =	vmov s15  }
0x42: {  	v21 =	vadd.s32 v1, v12;
	v8 =	vmov s14;
	v7 =	vand.u32 $0x7F, v7;
	v22 =	vld [tilespmem:s9+$0x60]  }
0x43: {  	s16 =	simm.s32 $0x5;
	v23 =	vld [tilespmem:s12+$0xFFFFFF80];
	v8 =	vand.u32 $0x7C, v8;
	v10 =	vadd.f32 v10, v6;
	v24 =	vadd.s32 v0, v7  }
0x44: {  	s17 =	simm.s32 $0x6;
	v25 =	vld [tilespmem:s12+$0xFFFFFFC0];
	v15 =	vadd.f32 v15, v6;
	v11 =	vadd.f32 v14, v6;
	v14 =	vmov s16  }
0x45: {  	v27 =	vadd.s32 v0, v8;
	[tilespmem:v16+s20+$0x0] =	vst.idx.msk $0xffff, v10;
	v16 =	vmov s17;
	v10 =	vand.u32 $0x7D, v14;
	v14 =	vld [tilespmem:s12+$0x0]  }
0x46: {  	[tilespmem:v17+s20+$0x0] =	vst.idx.msk $0xffff, v11;
	v17 =	vadd.s32 v0, v10;
	v11 =	vand.u32 $0x7E, v16;
	v16 =	vadd.f32 v18, v9;
	v18 =	vld [tilespmem:s9+$0xFFFFFFE0]  }
0x47: {  	[tilespmem:v21+s20+$0x0] =	vst.idx.msk $0xffff, v15;
	v15 =	vadd.s32 v0, v11;
	v21 =	vld [tilespmem:s9+$0x20];
	v22 =	vadd.f32 v22, v5  }
0x48: {  	v23 =	vadd.f32 v23, v9;
	[tilespmem:v24+s20+$0x0] =	vst.idx.msk $0xffff, v16;
	v16 =	vld [tilespmem:s9+$0xFFFFFFA0];
	v24 =	vadd.s32 v2, v19  }
0x49: {  	v29 =	vadd.s32 v2, v20;
	v25 =	vadd.f32 v25, v9;
	v28 =	vld [tilespmem:s12+$0x50];
	[tilespmem:v26+s20+$0x0] =	vst.idx.msk $0xffff, v22  }
0x4a: {  	[tilespmem:v27+s20+$0x0] =	vst.idx.msk $0xffff, v23;
	v23 =	vadd.s32 v2, v12;
	v14 =	vadd.f32 v14, v9;
	v26 =	vld [tilespmem:s9+$0x70]  }
0x4b: {  	v27 =	vld [tilespmem:s12+$0xFFFFFF90];
	[tilespmem:v17+s20+$0x0] =	vst.idx.msk $0xffff, v25;
	v25 =	vadd.s32 v1, v7;
	v18 =	vadd.f32 v18, v5  }
0x4c: {  	v31 =	vadd.s32 v3, v13;
	v30 =	vld [tilespmem:s12+$0xFFFFFFD0];
	[tilespmem:v15+s20+$0x0] =	vst.idx.msk $0xffff, v14;
	v14 =	vadd.f32 v21, v5  }
0x4d: {  	v22 =	vadd.s32 v1, v8;
	v17 =	vld [tilespmem:s12+$0x10];
	v13 =	vadd.f32 v16, v5;
	[tilespmem:v24+s20+$0x0] =	vst.idx.msk $0xffff, v18  }
0x4e: {  	s14 =	simm.s32 $0x8;
	v21 =	vadd.s32 v1, v10;
	[tilespmem:v29+s20+$0x0] =	vst.idx.msk $0xffff, v14;
	v18 =	vadd.f32 v28, v6;
	v16 =	vld [tilespmem:s9+$0xFFFFFFF0]  }
0x4f: {  	v24 =	vmov s14;
	v14 =	vadd.s32 v1, v11;
	v15 =	vld [tilespmem:s9+$0x30];
	[tilespmem:v23+s20+$0x0] =	vst.idx.msk $0xffff, v13;
	v63 =	vadd.f32 v26, v4  }
0x50: {  	s13 =	simm.s32 $0x9880;
	s15 =	simm.s32 $0xB;
	v19 =	vadd.s32 v3, v19;
	v13 =	vand.u32 $0x7C, v24;
	v24 =	vadd.f32 v27, v6;
	[tilespmem:v25+s20+$0x0] =	vst.idx.msk $0xffff, v18;
	v18 =	vld [tilespmem:s9+$0xFFFFFFB0]  }
0x51: {  	v20 =	vadd.s32 v3, v20;
	v26 =	vmov s15;
	v23 =	vld [tilespmem:s13+$0x40];
	s15 =	simm.s32 $0xC;
	s9 =	sshll.u32 s0, $0x2;
	v25 =	vadd.f32 v30, v6;
	[tilespmem:v31+s20+$0x0] =	vst.idx.msk $0xffff, v63  }
.LBB2_3:
0x52: {  	p1 =	slt.u32 s15, $0x7C;
	s16 =	sadd.s32 $0x1, s14;
	v26 =	vand.u32 $0x7F, v26;
	[tilespmem:v22+s20+$0x0] =	vst.idx.msk $0xffff, v24;
	v17 =	vadd.f32 v17, v6;
	v22 =	vld [tilespmem:s12+$0x60];
	v24 =	vadd.s32 v3, v12  }
0x53: {  	v30 =	vmovc v11;
	v27 =	vld [tilespmem:s13+$0xFFFFFF80];
	v28 =	vmov s16;
	s16 =	sadd.s32 $0x2, s14;
	v29 =	vadd.s32 v0, v26;
	[tilespmem:v21+s20+$0x0] =	vst.idx.msk $0xffff, v25;
	v16 =	vadd.f32 v16, v4;
	s14 =	smov.u32 s15  }
0x54: {  	v12 =	vmovc v8;
	v21 =	vld [tilespmem:s13+$0xFFFFFFC0];
	v11 =	vmov s16;
	[tilespmem:v14+s20+$0x0] =	vst.idx.msk $0xffff, v17;
	v14 =	vadd.s32 v2, v7;
	v15 =	vadd.f32 v15, v4  }
0x55: {  	v17 =	vadd.s32 v0, v13;
	v28 =	vand.u32 $0x7D, v28;
	v25 =	vld [tilespmem:s13+$0x0];
	v31 =	vadd.f32 v18, v4;
	[tilespmem:v19+s20+$0x0] =	vst.idx.msk $0xffff, v16  }
0x56: {  	v16 =	vadd.s32 v0, v28;
	v11 =	vand.u32 $0x7E, v11;
	v18 =	vadd.f32 v23, v9;
	v19 =	vld [tilespmem:s12+$0xFFFFFFE0];
	[tilespmem:v20+s20+$0x0] =	vst.idx.msk $0xffff, v15  }
0x57: {  	v8 =	vmov v13;
	v15 =	vadd.s32 v0, v11;
	v20 =	vld [tilespmem:s12+$0x20];
	v22 =	vadd.f32 v22, v5;
	[tilespmem:v24+s20+$0x0] =	vst.idx.msk $0xffff, v31  }
0x58: {  	v23 =	vadd.s32 v2, v10;
	v13 =	vadd.f32 v27, v9;
	[tilespmem:v29+s20+$0x0] =	vst.idx.msk $0xffff, v18;
	v18 =	vld [tilespmem:s12+$0xFFFFFFA0]  }
0x59: {  	v27 =	vadd.s32 v2, v30;
	v21 =	vadd.f32 v21, v9;
	v24 =	vld [tilespmem:s13+$0x50];
	[tilespmem:v14+s20+$0x0] =	vst.idx.msk $0xffff, v22  }
0x5a: {  	[tilespmem:v17+s20+$0x0] =	vst.idx.msk $0xffff, v13;
	v13 =	vadd.f32 v25, v9;
	v25 =	vadd.s32 v2, v12;
	v29 =	vld [tilespmem:s12+$0x70]  }
0x5b: {  	v32 =	vadd.s32 v1, v26;
	v31 =	vld [tilespmem:s13+$0xFFFFFF90];
	[tilespmem:v16+s20+$0x0] =	vst.idx.msk $0xffff, v21;
	v14 =	vadd.f32 v19, v5  }
0x5c: {  	v34 =	vadd.s32 v3, v7;
	v7 =	vmov v26;
	v33 =	vld [tilespmem:s13+$0xFFFFFFD0];
	[tilespmem:v15+s20+$0x0] =	vst.idx.msk $0xffff, v13;
	v13 =	vadd.f32 v20, v5  }
.Ltmp2:
0x5d: {  	v22 =	vadd.s32 v1, v8;
	v17 =	vld [tilespmem:s13+$0x10];
	v15 =	vadd.f32 v18, v5;
	[tilespmem:v23+s20+$0x0] =	vst.idx.msk $0xffff, v14;
	(pc) =	sbr.rel @p1 .LBB2_3-.Ltmp2, $4  }
0x5e: {  	v21 =	vadd.s32 v1, v28;
	v18 =	vadd.f32 v24, v6;
	v16 =	vld [tilespmem:s12+$0xFFFFFFF0];
	[tilespmem:v27+s20+$0x0] =	vst.idx.msk $0xffff, v13  }
0x5f: {  	v14 =	vadd.s32 v1, v11;
	v13 =	vmov s15;
	[tilespmem:v25+s20+$0x0] =	vst.idx.msk $0xffff, v15;
	v15 =	vld [tilespmem:s12+$0x30];
	v27 =	vadd.f32 v29, v4  }
0x60: {  	s16 =	sadd.s32 $0x3, s15;
	v19 =	vadd.s32 v3, v10;
	v13 =	vand.u32 $0x7C, v13;
	v24 =	vadd.f32 v31, v6;
	[tilespmem:v32+s20+$0x0] =	vst.idx.msk $0xffff, v18;
	v18 =	vld [tilespmem:s12+$0xFFFFFFB0];
	s12 =	smov.u32 s13;
	s13 =	sadd.s32 $0x100, s13  }
0x61: {  	v26 =	vmov s16;
	v10 =	vmovc v28;
	v20 =	vadd.s32 v3, v30;
	s15 =	sadd.s32 $0x4, s15;
	v23 =	vld [tilespmem:s13+$0x40];
	v25 =	vadd.f32 v33, v6;
	[tilespmem:v34+s20+$0x0] =	vst.idx.msk $0xffff, v27  }
0x62: {  	s15 =	sadd.s32 $0x1, s14  }
0x63: {  	v26 =	vand.u32 $0x7F, v26;
	v28 =	vld [tilespmem:s13+$0xFFFFFFC0];
	v27 =	vmov s15;
	s15 =	sadd.s32 $0x2, s14  }
0x64: {  	v31 =	vld [tilespmem:s13+$0x0];
	v29 =	vadd.s32 v0, v26;
	v30 =	vmov s15;
	v27 =	vand.u32 $0x7D, v27  }
0x65: {  	v32 =	vld [tilespmem:s13+$0xFFFFFF80];
	v33 =	vadd.s32 v0, v27;
	v30 =	vand.u32 $0x7E, v30  }
0x66: {  	v34 =	vadd.s32 v0, v30  }
0x67: {  	[tilespmem:v22+s20+$0x0] =	vst.idx.msk $0xffff, v24;
	v44 =	vadd.s32 v0, v13;
	v23 =	vadd.f32 v23, v9  }
0x68: {  	[tilespmem:v21+s20+$0x0] =	vst.idx.msk $0xffff, v25;
	v45 =	vadd.f32 v28, v9  }
0x69: {  	v46 =	vadd.f32 v31, v9;
	[tilespmem:v29+s20+$0x0] =	vst.idx.msk $0xffff, v23  }
0x6a: {  	v47 =	vadd.f32 v32, v9;
	v48 =	vld [tilespmem:s13+$0x50];
	[tilespmem:v33+s20+$0x0] =	vst.idx.msk $0xffff, v45  }
0x6b: {  	v17 =	vadd.f32 v17, v6;
	v12 =	vadd.s32 v3, v12;
	v21 =	vld [tilespmem:s13+$0xFFFFFFD0];
	[tilespmem:v34+s20+$0x0] =	vst.idx.msk $0xffff, v46  }
0x6c: {  	v16 =	vadd.f32 v16, v4;
	v49 =	vadd.s32 v1, v26;
	[tilespmem:v44+s20+$0x0] =	vst.idx.msk $0xffff, v47;
	v50 =	vld [tilespmem:s13+$0x10]  }
0x6d: {  	[tilespmem:v14+s20+$0x0] =	vst.idx.msk $0xffff, v17;
	v51 =	vadd.f32 v15, v4;
	v53 =	vadd.s32 v1, v27;
	v52 =	vld [tilespmem:s13+$0xFFFFFF90]  }
0x6e: {  	v54 =	vld [tilespmem:s12+$0x60];
	v18 =	vadd.f32 v18, v4;
	[tilespmem:v19+s20+$0x0] =	vst.idx.msk $0xffff, v16;
	v55 =	vadd.s32 v1, v30  }
0x6f: {  	v57 =	vadd.s32 v1, v13;
	v60 =	vld [tilespmem:s12+$0x20];
	[tilespmem:v20+s20+$0x0] =	vst.idx.msk $0xffff, v51;
	v58 =	vadd.f32 v48, v6  }
0x70: {  	v59 =	vadd.s32 v2, v7;
	v56 =	vld [tilespmem:s12+$0xFFFFFFE0];
	[tilespmem:v12+s20+$0x0] =	vst.idx.msk $0xffff, v18;
	v61 =	vadd.f32 v21, v6  }
0x71: {  	v62 =	vld [tilespmem:s12+$0xFFFFFFA0];
	v29 =	vadd.s32 v2, v11;
	[tilespmem:v49+s20+$0x0] =	vst.idx.msk $0xffff, v58;
	v28 =	vadd.f32 v50, v6  }
0x72: {  	v63 =	vadd.s32 v2, v10;
	v31 =	vadd.f32 v52, v6;
	v32 =	vld [tilespmem:s13+$0x60];
	[tilespmem:v53+s20+$0x0] =	vst.idx.msk $0xffff, v61  }
0x73: {  	v33 =	vadd.f32 v54, v5;
	v34 =	vadd.s32 v2, v8;
	[tilespmem:v55+s20+$0x0] =	vst.idx.msk $0xffff, v28;
	v35 =	vld [tilespmem:s13+$0xFFFFFFE0]  }
0x74: {  	v37 =	vadd.s32 v2, v26;
	v39 =	vadd.f32 v60, v5;
	[tilespmem:v57+s20+$0x0] =	vst.idx.msk $0xffff, v31;
	v38 =	vld [tilespmem:s13+$0x20]  }
0x75: {  	v41 =	vadd.s32 v2, v27;
	v36 =	vadd.f32 v56, v5;
	[tilespmem:v59+s20+$0x0] =	vst.idx.msk $0xffff, v33;
	v40 =	vld [tilespmem:s13+$0xFFFFFFA0]  }
0x76: {  	v43 =	vadd.s32 v2, v30;
	v18 =	vadd.f32 v62, v5;
	v42 =	vld [tilespmem:s12+$0x70];
	[tilespmem:v29+s20+$0x0] =	vst.idx.msk $0xffff, v39  }
0x77: {  	v45 =	vadd.s32 v2, v13;
	[tilespmem:v63+s20+$0x0] =	vst.idx.msk $0xffff, v36;
	v47 =	vld [tilespmem:s12+$0x30];
	v44 =	vadd.f32 v32, v5  }
0x78: {  	v46 =	vadd.s32 v3, v7;
	v21 =	vld [tilespmem:s12+$0xFFFFFFF0];
	[tilespmem:v34+s20+$0x0] =	vst.idx.msk $0xffff, v18;
	v9 =	vadd.f32 v35, v5  }
0x79: {  	v18 =	vld [tilespmem:s12+$0xFFFFFFB0];
	v50 =	vadd.s32 v3, v11;
	[tilespmem:v37+s20+$0x0] =	vst.idx.msk $0xffff, v44;
	v49 =	vadd.f32 v38, v5  }
0x7a: {  	v48 =	vadd.s32 v3, v10;
	v12 =	vld [tilespmem:s13+$0x70];
	v5 =	vadd.f32 v40, v5;
	[tilespmem:v41+s20+$0x0] =	vst.idx.msk $0xffff, v9  }
0x7b: {  	v52 =	vadd.s32 v3, v8;
	v51 =	vadd.f32 v42, v4;
	v53 =	vld [tilespmem:s13+$0xFFFFFFF0];
	[tilespmem:v43+s20+$0x0] =	vst.idx.msk $0xffff, v49  }
0x7c: {  	v55 =	vadd.s32 v3, v26;
	v56 =	vadd.f32 v47, v4;
	[tilespmem:v45+s20+$0x0] =	vst.idx.msk $0xffff, v5;
	v5 =	vld [tilespmem:s13+$0x30]  }
0x7d: {  	v58 =	vadd.s32 v3, v27;
	[tilespmem:v46+s20+$0x0] =	vst.idx.msk $0xffff, v51;
	v54 =	vadd.f32 v21, v4;
	v57 =	vld [tilespmem:s13+$0xFFFFFFB0]  }
0x7e: {  	v60 =	vadd.s32 v3, v30;
	v59 =	vadd.f32 v18, v4;
	[tilespmem:v50+s20+$0x0] =	vst.idx.msk $0xffff, v56  }
0x7f: {  	v62 =	vadd.s32 v3, v13;
	[tilespmem:v48+s20+$0x0] =	vst.idx.msk $0xffff, v54;
	v61 =	vadd.f32 v12, v4  }
0x80: {  	[tilespmem:v52+s20+$0x0] =	vst.idx.msk $0xffff, v59;
	v63 =	vadd.f32 v53, v4  }
0x81: {  	s16 =	sshll.u32 s0, $0x14;
	[tilespmem:v55+s20+$0x0] =	vst.idx.msk $0xffff, v61;
	v5 =	vadd.f32 v5, v4  }
0x82: {  	s12 =	sor.u32 s7, s16;
	v4 =	vadd.f32 v57, v4;
	[tilespmem:v58+s20+$0x0] =	vst.idx.msk $0xffff, v63  }
0x83: {  	s12 =	sshrl.u32 s12, $0x3;
	[tilespmem:v60+s20+$0x0] =	vst.idx.msk $0xffff, v5  }
0x84: {  	s17 =	simm.s32 $0x11600;
	s13 =	sadd.s32 s2, s12;
	[tilespmem:v62+s20+$0x0] =	vst.idx.msk $0xffff, v4  }
0x85: {  	[hbm4b:s13+s3] =	stream.linear.scatter [tilespmem:s17], [sflag:$0x5], $0x80, $0x38;
	[tilespmem:$0x19E00] =	vst v63  }
0x86: {  	s5 =	simm.s32 $0x11688;
	s6 =	sadd.s32 $0x10, s13  }
0x87: {  	[hbm4b:s6+s3] =	stream.linear.scatter [tilespmem:s5], [sflag:$0x5], $0x80, $0x38;
	[tilespmem:$0x19E00] =	vst v63  }
0x88: {  	s14 =	simm.s32 $0x11710;
	s15 =	sadd.s32 $0x20, s13  }
0x89: {  	[hbm4b:s15+s3] =	stream.linear.scatter [tilespmem:s14], [sflag:$0x5], $0x80, $0x38;
	[tilespmem:$0x19E00] =	vst v63  }
0x8a: {  	s16 =	simm.s32 $0x11798;
	s17 =	sadd.s32 $0x30, s13  }
0x8b: {  	[hbm4b:s17+s3] =	stream.linear.scatter [tilespmem:s16], [sflag:$0x5], $0x80, $0x38;
	[tilespmem:$0x19E00] =	vst v63  }
0x8c: {  	s5 =	simm.s32 $0x11820;
	s6 =	sadd.s32 $0x40, s13  }
0x8d: {  	[hbm4b:s6+s3] =	stream.linear.scatter [tilespmem:s5], [sflag:$0x5], $0x80, $0x38;
	[tilespmem:$0x19E00] =	vst v63  }
0x8e: {  	s12 =	simm.s32 $0x440;
	s14 =	simm.s32 $0x118A8;
	s15 =	sadd.s32 $0x50, s13  }
0x8f: {  	[hbm4b:s15+s3] =	stream.linear.scatter [tilespmem:s14], [sflag:$0x5], $0x80, $0x38;
	[tilespmem:$0x19E00] =	vst v63  }
0x90: {  	s16 =	simm.s32 $0x11930;
	s17 =	sadd.s32 $0x60, s13;
	s14 =	simm.s32 $0x2200  }
0x91: {  	[hbm4b:s17+s3] =	stream.linear.scatter [tilespmem:s16], [sflag:$0x5], $0x80, $0x38;
	[tilespmem:$0x19E00] =	vst v63  }
0x92: {  	s15 =	simm.s32 $0x119B8;
	s16 =	sadd.s32 $0x70, s13;
	s13 =	sadd.s32 $0x1000, s13  }
.LBB2_5:
0x93: {  	[hbm4b:s16+s3] =	stream.linear.scatter [tilespmem:s15], [sflag:$0x5], $0x80, $0x38;
	[tilespmem:$0x19E00] =	vst v63  }
0x94: {  	s15 =	smov.u32 s12;
	s12 =	smov.u32 s14  }
0x95: {  	s17 =	sadd.s32 $0x1100, s14;
	s12 =	sshra.s32 s12, $0x2;
	s16 =	sadd.s32 $0x11600, s15  }
0x96: {  	[hbm4b:s13+s3] =	stream.linear.scatter [tilespmem:s16], [sflag:$0x5], $0x80, $0x38;
	[tilespmem:$0x19E00] =	vst v63  }
0x97: {  	p1 =	sne.s32 s14, $0x7700;
	s14 =	sadd.s32 $0x11688, s15;
	s16 =	sadd.s32 $0x10, s13  }
0x98: {  	[hbm4b:s16+s3] =	stream.linear.scatter [tilespmem:s14], [sflag:$0x5], $0x80, $0x38;
	[tilespmem:$0x19E00] =	vst v63  }
0x99: {  	s14 =	sadd.s32 $0x11710, s15;
	s16 =	sadd.s32 $0x20, s13  }
0x9a: {  	[hbm4b:s16+s3] =	stream.linear.scatter [tilespmem:s14], [sflag:$0x5], $0x80, $0x38;
	[tilespmem:$0x19E00] =	vst v63  }
0x9b: {  	s14 =	sadd.s32 $0x11798, s15;
	s16 =	sadd.s32 $0x30, s13  }
0x9c: {  	[hbm4b:s16+s3] =	stream.linear.scatter [tilespmem:s14], [sflag:$0x5], $0x80, $0x38;
	[tilespmem:$0x19E00] =	vst v63  }
0x9d: {  	s14 =	sadd.s32 $0x11820, s15;
	s16 =	sadd.s32 $0x40, s13  }
0x9e: {  	[hbm4b:s16+s3] =	stream.linear.scatter [tilespmem:s14], [sflag:$0x5], $0x80, $0x38;
	[tilespmem:$0x19E00] =	vst v63  }
.Ltmp3:
0x9f: {  	s14 =	sadd.s32 $0x118A8, s15;
	s16 =	sadd.s32 $0x50, s13;
	(pc) =	sbr.rel @p1 .LBB2_5-.Ltmp3, $4  }
0xa0: {  	[hbm4b:s16+s3] =	stream.linear.scatter [tilespmem:s14], [sflag:$0x5], $0x80, $0x38;
	[tilespmem:$0x19E00] =	vst v63  }
0xa1: {  	s14 =	sadd.s32 $0x11930, s15;
	s16 =	sadd.s32 $0x60, s13;
	s15 =	sadd.s32 $0x119B8, s15  }
0xa2: {  	[hbm4b:s16+s3] =	stream.linear.scatter [tilespmem:s14], [sflag:$0x5], $0x80, $0x38;
	[tilespmem:$0x19E00] =	vst v63  }
0xa3: {  	s16 =	sadd.s32 $0x70, s13;
	s13 =	sadd.s32 $0x1000, s13;
	s14 =	smov.u32 s17  }
0xa4: {  	[hbm4b:s16+s3] =	stream.linear.scatter [tilespmem:s15], [sflag:$0x5], $0x80, $0x38;
	[tilespmem:$0x19E00] =	vst v63  }
0xa5: {  	s14 =	sadd.s32 $0x11600, s12  }
0xa6: {  	[hbm4b:s13+s3] =	stream.linear.scatter [tilespmem:s14], [sflag:$0x5], $0x80, $0x38;
	[tilespmem:$0x19E00] =	vst v63  }
0xa7: {  	s16 =	sadd.s32 $0x11688, s12;
	s17 =	sadd.s32 $0x10, s13  }
0xa8: {  	[hbm4b:s17+s3] =	stream.linear.scatter [tilespmem:s16], [sflag:$0x5], $0x80, $0x38;
	[tilespmem:$0x19E00] =	vst v63  }
0xa9: {  	s5 =	sadd.s32 $0x11710, s12;
	s6 =	sadd.s32 $0x20, s13  }
0xaa: {  	[hbm4b:s6+s3] =	stream.linear.scatter [tilespmem:s5], [sflag:$0x5], $0x80, $0x38;
	[tilespmem:$0x19E00] =	vst v63  }
0xab: {  	s16 =	sadd.s32 $0x11798, s12;
	s17 =	sadd.s32 $0x30, s13  }
0xac: {  	[hbm4b:s17+s3] =	stream.linear.scatter [tilespmem:s16], [sflag:$0x5], $0x80, $0x38;
	[tilespmem:$0x19E00] =	vst v63  }
0xad: {  	p1 =	seq.s32 s0, $0x31;
	s5 =	sadd.s32 $0x11820, s12;
	s6 =	sadd.s32 $0x40, s13  }
0xae: {  	[hbm4b:s6+s3] =	stream.linear.scatter [tilespmem:s5], [sflag:$0x5], $0x80, $0x38;
	[tilespmem:$0x19E00] =	vst v63  }
0xaf: {  	s16 =	sadd.s32 $0x118A8, s12;
	s17 =	sadd.s32 $0x50, s13;
	s5 =	sadd.s32 $0x11930, s12  }
0xb0: {  	[hbm4b:s17+s3] =	stream.linear.scatter [tilespmem:s16], [sflag:$0x5], $0x80, $0x38;
	[tilespmem:$0x19E00] =	vst v63  }
0xb1: {  	s6 =	sadd.s32 $0x60, s13;
	s16 =	sadd.s32 $0x119B8, s12;
	s12 =	sshll.u32 @!p1 s0, $0x9  }
0xb2: {  	[hbm4b:s6+s3] =	stream.linear.scatter [tilespmem:s5], [sflag:$0x5], $0x80, $0x38;
	[tilespmem:$0x19E00] =	vst v63  }
0xb3: {  	s17 =	sadd.s32 $0x70, s13;
	s12 =	sand.u32 @!p1 $0x3FFFFE00, s12  }
0xb4: {  	[hbm4b:s17+s3] =	stream.linear.scatter [tilespmem:s16], [sflag:$0x5], $0x80, $0x38;
	[tilespmem:$0x19E00] =	vst v63  }
0xb5: {  	s15 =	simm.s32 @!p1 $0x9600;
	s14 =	simm.s32 @!p1 $0x80;
	s13 =	sadd.s32 @!p1 $0x200, s12  }
0xb6: {  	[tilespmem:s15], [sflag:$0x1] =	stream.indirect.gather @!p1 [hbm4b:s4+s14], $0x40, s13, s14, $0xb8;
	[tilespmem:$0x19E00] =	vst v63  }
0xb7: {  	_ =	swait.ge [sflag:s21], $0x2000  }
0xb8: {  	[sflag:s21] =	ssyncset.done $0x0  }
0xb9: {  	s14 =	simm.s32 @!p0 $0x6;
	[sflag:s21] =	ssyncadd.s32 $0xFFFFE000  }
0xba: {  	s13 =	sor.u32 $0x1, s9;
	_ =	swait.ge @!p0 [sflag:s14], $0x2000  }
0xbb: {  	s5 =	sshll.u32 s13, $0x6;
	[sflag:s14] =	ssyncset.done @!p0 $0x0  }
0xbc: {  	[sflag:s14] =	ssyncadd.s32 @!p0 $0xFFFFE000;
	s14 =	sand.u32 $0x3FFFFFC0, s5  }
0xbd: {  	s6 =	simm.s32 $0x3;
	s17 =	simm.s32 $0xB680;
	v9 =	vld [tilespmem:s14+$0x6400]  }
0xbe: {  	v4 =	vmov s6;
	v7 =	vld [tilespmem:s17+$0x40]  }
0xbf: {  	v13 =	vand.u32 $0x7F, v4  }
0xc0: {  	s16 =	simm.s32 $0x0;
	v8 =	vadd.s32 v0, v13;
	v6 =	vld [tilespmem:s14+$0x6410]  }
0xc1: {  	s6 =	simm.s32 $0x2;
	v4 =	vmov s16;
	s5 =	simm.s32 $0x1;
	v10 =	vld [tilespmem:s17+$0xFFFFFF80]  }
0xc2: {  	v14 =	vmov s6;
	v12 =	vand.u32 $0x7C, v4;
	v4 =	vmov s5;
	v11 =	vld [tilespmem:s17+$0xFFFFFFC0]  }
0xc3: {  	v15 =	vadd.s32 v0, v12;
	v16 =	vld [tilespmem:s17+$0x0];
	v19 =	vand.u32 $0x7D, v4;
	v7 =	vadd.f32 v7, v9  }
0xc4: {  	v20 =	vand.u32 $0x7E, v14;
	v5 =	vld [tilespmem:s14+$0x6420];
	v17 =	vadd.s32 v0, v19  }
0xc5: {  	v14 =	vadd.s32 v0, v20;
	v4 =	vld [tilespmem:s14+$0x6430];
	[tilespmem:v8+s22+$0x0] =	vst.idx.msk $0xffff, v7  }
0xc6: {  	v7 =	vadd.f32 v10, v9;
	v8 =	vld [tilespmem:s17+$0x50]  }
0xc7: {  	v10 =	vadd.f32 v11, v9  }
0xc8: {  	v11 =	vadd.s32 v1, v13;
	[tilespmem:v15+s22+$0x0] =	vst.idx.msk $0xffff, v7;
	v7 =	vadd.f32 v16, v9  }
0xc9: {  	[tilespmem:v17+s22+$0x0] =	vst.idx.msk $0xffff, v10;
	v15 =	vld [tilespmem:s17+$0xFFFFFF90]  }
0xca: {  	v10 =	vld [tilespmem:s17+$0xFFFFFFD0];
	[tilespmem:v14+s22+$0x0] =	vst.idx.msk $0xffff, v7  }
0xcb: {  	v14 =	vld [tilespmem:s17+$0x10];
	v7 =	vadd.f32 v8, v6  }
0xcc: {  	s5 =	simm.s32 $0x7;
	s14 =	simm.s32 $0xB780;
	v16 =	vadd.s32 v1, v19  }
0xcd: {  	s16 =	simm.s32 $0x4;
	v26 =	vadd.s32 v2, v13;
	v18 =	vld [tilespmem:s14+$0x40];
	v17 =	vadd.s32 v1, v20;
	[tilespmem:v11+s22+$0x0] =	vst.idx.msk $0xffff, v7;
	v7 =	vmov s5  }
0xce: {  	v21 =	vadd.s32 v1, v12;
	v8 =	vmov s16;
	v7 =	vand.u32 $0x7F, v7;
	v22 =	vld [tilespmem:s17+$0x60]  }
0xcf: {  	s6 =	simm.s32 $0x5;
	v23 =	vld [tilespmem:s14+$0xFFFFFF80];
	v8 =	vand.u32 $0x7C, v8;
	v10 =	vadd.f32 v10, v6;
	v24 =	vadd.s32 v0, v7  }
0xd0: {  	v25 =	vld [tilespmem:s14+$0xFFFFFFC0];
	s16 =	simm.s32 $0x6;
	v15 =	vadd.f32 v15, v6;
	v11 =	vadd.f32 v14, v6;
	v14 =	vmov s6  }
0xd1: {  	v27 =	vadd.s32 v0, v8;
	[tilespmem:v16+s22+$0x0] =	vst.idx.msk $0xffff, v10;
	v16 =	vmov s16;
	v10 =	vand.u32 $0x7D, v14;
	v14 =	vld [tilespmem:s14+$0x0]  }
0xd2: {  	[tilespmem:v17+s22+$0x0] =	vst.idx.msk $0xffff, v11;
	v17 =	vadd.s32 v0, v10;
	v11 =	vand.u32 $0x7E, v16;
	v16 =	vadd.f32 v18, v9;
	v18 =	vld [tilespmem:s17+$0xFFFFFFE0]  }
0xd3: {  	[tilespmem:v21+s22+$0x0] =	vst.idx.msk $0xffff, v15;
	v15 =	vadd.s32 v0, v11;
	v21 =	vld [tilespmem:s17+$0x20];
	v22 =	vadd.f32 v22, v5  }
0xd4: {  	v23 =	vadd.f32 v23, v9;
	[tilespmem:v24+s22+$0x0] =	vst.idx.msk $0xffff, v16;
	v16 =	vld [tilespmem:s17+$0xFFFFFFA0];
	v24 =	vadd.s32 v2, v19  }
0xd5: {  	v29 =	vadd.s32 v2, v20;
	v25 =	vadd.f32 v25, v9;
	v28 =	vld [tilespmem:s14+$0x50];
	[tilespmem:v26+s22+$0x0] =	vst.idx.msk $0xffff, v22  }
0xd6: {  	[tilespmem:v27+s22+$0x0] =	vst.idx.msk $0xffff, v23;
	v23 =	vadd.s32 v2, v12;
	v14 =	vadd.f32 v14, v9;
	v26 =	vld [tilespmem:s17+$0x70]  }
0xd7: {  	v27 =	vld [tilespmem:s14+$0xFFFFFF90];
	[tilespmem:v17+s22+$0x0] =	vst.idx.msk $0xffff, v25;
	v25 =	vadd.s32 v1, v7;
	v18 =	vadd.f32 v18, v5  }
0xd8: {  	v31 =	vadd.s32 v3, v13;
	v30 =	vld [tilespmem:s14+$0xFFFFFFD0];
	[tilespmem:v15+s22+$0x0] =	vst.idx.msk $0xffff, v14;
	v14 =	vadd.f32 v21, v5  }
0xd9: {  	v22 =	vadd.s32 v1, v8;
	v17 =	vld [tilespmem:s14+$0x10];
	v13 =	vadd.f32 v16, v5;
	[tilespmem:v24+s22+$0x0] =	vst.idx.msk $0xffff, v18  }
0xda: {  	s16 =	simm.s32 $0x8;
	v21 =	vadd.s32 v1, v10;
	[tilespmem:v29+s22+$0x0] =	vst.idx.msk $0xffff, v14;
	v18 =	vadd.f32 v28, v6;
	v16 =	vld [tilespmem:s17+$0xFFFFFFF0]  }
0xdb: {  	v24 =	vmov s16;
	v14 =	vadd.s32 v1, v11;
	v15 =	vld [tilespmem:s17+$0x30];
	[tilespmem:v23+s22+$0x0] =	vst.idx.msk $0xffff, v13;
	v63 =	vadd.f32 v26, v4  }
0xdc: {  	s15 =	simm.s32 $0xB880;
	s5 =	simm.s32 $0xB;
	v19 =	vadd.s32 v3, v19;
	v13 =	vand.u32 $0x7C, v24;
	v24 =	vadd.f32 v27, v6;
	[tilespmem:v25+s22+$0x0] =	vst.idx.msk $0xffff, v18;
	v18 =	vld [tilespmem:s17+$0xFFFFFFB0]  }
0xdd: {  	v20 =	vadd.s32 v3, v20;
	v26 =	vmov s5;
	v23 =	vld [tilespmem:s15+$0x40];
	s17 =	simm.s32 $0xC;
	v25 =	vadd.f32 v30, v6;
	[tilespmem:v31+s22+$0x0] =	vst.idx.msk $0xffff, v63  }
.LBB2_7:
0xde: {  	p2 =	slt.u32 s17, $0x7C;
	s5 =	sadd.s32 $0x1, s16;
	v26 =	vand.u32 $0x7F, v26;
	[tilespmem:v22+s22+$0x0] =	vst.idx.msk $0xffff, v24;
	v17 =	vadd.f32 v17, v6;
	v22 =	vld [tilespmem:s14+$0x60];
	v24 =	vadd.s32 v3, v12  }
0xdf: {  	v30 =	vmovc v11;
	v27 =	vld [tilespmem:s15+$0xFFFFFF80];
	v28 =	vmov s5;
	s5 =	sadd.s32 $0x2, s16;
	v29 =	vadd.s32 v0, v26;
	[tilespmem:v21+s22+$0x0] =	vst.idx.msk $0xffff, v25;
	v16 =	vadd.f32 v16, v4;
	s16 =	smov.u32 s17  }
0xe0: {  	v12 =	vmovc v8;
	v21 =	vld [tilespmem:s15+$0xFFFFFFC0];
	v11 =	vmov s5;
	[tilespmem:v14+s22+$0x0] =	vst.idx.msk $0xffff, v17;
	v14 =	vadd.s32 v2, v7;
	v15 =	vadd.f32 v15, v4  }
0xe1: {  	v17 =	vadd.s32 v0, v13;
	v28 =	vand.u32 $0x7D, v28;
	v25 =	vld [tilespmem:s15+$0x0];
	v31 =	vadd.f32 v18, v4;
	[tilespmem:v19+s22+$0x0] =	vst.idx.msk $0xffff, v16  }
0xe2: {  	v16 =	vadd.s32 v0, v28;
	v11 =	vand.u32 $0x7E, v11;
	v18 =	vadd.f32 v23, v9;
	v19 =	vld [tilespmem:s14+$0xFFFFFFE0];
	[tilespmem:v20+s22+$0x0] =	vst.idx.msk $0xffff, v15  }
0xe3: {  	v8 =	vmov v13;
	v15 =	vadd.s32 v0, v11;
	v20 =	vld [tilespmem:s14+$0x20];
	v22 =	vadd.f32 v22, v5;
	[tilespmem:v24+s22+$0x0] =	vst.idx.msk $0xffff, v31  }
0xe4: {  	v23 =	vadd.s32 v2, v10;
	v13 =	vadd.f32 v27, v9;
	[tilespmem:v29+s22+$0x0] =	vst.idx.msk $0xffff, v18;
	v18 =	vld [tilespmem:s14+$0xFFFFFFA0]  }
0xe5: {  	v27 =	vadd.s32 v2, v30;
	v21 =	vadd.f32 v21, v9;
	v24 =	vld [tilespmem:s15+$0x50];
	[tilespmem:v14+s22+$0x0] =	vst.idx.msk $0xffff, v22  }
0xe6: {  	[tilespmem:v17+s22+$0x0] =	vst.idx.msk $0xffff, v13;
	v13 =	vadd.f32 v25, v9;
	v25 =	vadd.s32 v2, v12;
	v29 =	vld [tilespmem:s14+$0x70]  }
0xe7: {  	v32 =	vadd.s32 v1, v26;
	v31 =	vld [tilespmem:s15+$0xFFFFFF90];
	[tilespmem:v16+s22+$0x0] =	vst.idx.msk $0xffff, v21;
	v14 =	vadd.f32 v19, v5  }
0xe8: {  	v34 =	vadd.s32 v3, v7;
	v7 =	vmov v26;
	v33 =	vld [tilespmem:s15+$0xFFFFFFD0];
	[tilespmem:v15+s22+$0x0] =	vst.idx.msk $0xffff, v13;
	v13 =	vadd.f32 v20, v5  }
.Ltmp4:
0xe9: {  	v22 =	vadd.s32 v1, v8;
	v17 =	vld [tilespmem:s15+$0x10];
	v15 =	vadd.f32 v18, v5;
	[tilespmem:v23+s22+$0x0] =	vst.idx.msk $0xffff, v14;
	(pc) =	sbr.rel @p2 .LBB2_7-.Ltmp4, $4  }
0xea: {  	v21 =	vadd.s32 v1, v28;
	v18 =	vadd.f32 v24, v6;
	v16 =	vld [tilespmem:s14+$0xFFFFFFF0];
	[tilespmem:v27+s22+$0x0] =	vst.idx.msk $0xffff, v13  }
0xeb: {  	v14 =	vadd.s32 v1, v11;
	v13 =	vmov s17;
	[tilespmem:v25+s22+$0x0] =	vst.idx.msk $0xffff, v15;
	v15 =	vld [tilespmem:s14+$0x30];
	v27 =	vadd.f32 v29, v4  }
0xec: {  	s5 =	sadd.s32 $0x3, s17;
	v19 =	vadd.s32 v3, v10;
	v13 =	vand.u32 $0x7C, v13;
	v24 =	vadd.f32 v31, v6;
	[tilespmem:v32+s22+$0x0] =	vst.idx.msk $0xffff, v18;
	v18 =	vld [tilespmem:s14+$0xFFFFFFB0];
	s14 =	smov.u32 s15;
	s15 =	sadd.s32 $0x100, s15  }
0xed: {  	v26 =	vmov s5;
	v10 =	vmovc v28;
	v20 =	vadd.s32 v3, v30;
	s17 =	sadd.s32 $0x4, s17;
	v23 =	vld [tilespmem:s15+$0x40];
	v25 =	vadd.f32 v33, v6;
	[tilespmem:v34+s22+$0x0] =	vst.idx.msk $0xffff, v27  }
0xee: {  	s5 =	sadd.s32 $0x1, s16  }
0xef: {  	v26 =	vand.u32 $0x7F, v26;
	s6 =	sadd.s32 $0x2, s16;
	v28 =	vld [tilespmem:s15+$0xFFFFFFC0];
	v27 =	vmov s5  }
0xf0: {  	v31 =	vld [tilespmem:s15+$0x0];
	v29 =	vadd.s32 v0, v26;
	v30 =	vmov s6;
	v27 =	vand.u32 $0x7D, v27  }
0xf1: {  	v32 =	vld [tilespmem:s15+$0xFFFFFF80];
	v30 =	vand.u32 $0x7E, v30;
	v33 =	vadd.s32 v0, v27  }
0xf2: {  	v34 =	vadd.s32 v0, v30  }
0xf3: {  	[tilespmem:v22+s22+$0x0] =	vst.idx.msk $0xffff, v24;
	v44 =	vadd.s32 v0, v13;
	v23 =	vadd.f32 v23, v9  }
0xf4: {  	[tilespmem:v21+s22+$0x0] =	vst.idx.msk $0xffff, v25;
	v45 =	vadd.f32 v28, v9  }
0xf5: {  	v46 =	vadd.f32 v31, v9;
	[tilespmem:v29+s22+$0x0] =	vst.idx.msk $0xffff, v23  }
0xf6: {  	v47 =	vadd.f32 v32, v9;
	v48 =	vld [tilespmem:s15+$0x50];
	[tilespmem:v33+s22+$0x0] =	vst.idx.msk $0xffff, v45  }
0xf7: {  	v17 =	vadd.f32 v17, v6;
	v12 =	vadd.s32 v3, v12;
	[tilespmem:v34+s22+$0x0] =	vst.idx.msk $0xffff, v46;
	v21 =	vld [tilespmem:s15+$0xFFFFFFD0]  }
0xf8: {  	v16 =	vadd.f32 v16, v4;
	v49 =	vadd.s32 v1, v26;
	[tilespmem:v44+s22+$0x0] =	vst.idx.msk $0xffff, v47;
	v50 =	vld [tilespmem:s15+$0x10]  }
0xf9: {  	[tilespmem:v14+s22+$0x0] =	vst.idx.msk $0xffff, v17;
	v51 =	vadd.f32 v15, v4;
	v53 =	vadd.s32 v1, v27;
	v52 =	vld [tilespmem:s15+$0xFFFFFF90]  }
0xfa: {  	v54 =	vld [tilespmem:s14+$0x60];
	v18 =	vadd.f32 v18, v4;
	[tilespmem:v19+s22+$0x0] =	vst.idx.msk $0xffff, v16;
	v55 =	vadd.s32 v1, v30  }
0xfb: {  	v57 =	vadd.s32 v1, v13;
	v60 =	vld [tilespmem:s14+$0x20];
	[tilespmem:v20+s22+$0x0] =	vst.idx.msk $0xffff, v51;
	v58 =	vadd.f32 v48, v6  }
0xfc: {  	v59 =	vadd.s32 v2, v7;
	v56 =	vld [tilespmem:s14+$0xFFFFFFE0];
	[tilespmem:v12+s22+$0x0] =	vst.idx.msk $0xffff, v18;
	v61 =	vadd.f32 v21, v6  }
0xfd: {  	v62 =	vld [tilespmem:s14+$0xFFFFFFA0];
	v29 =	vadd.s32 v2, v11;
	[tilespmem:v49+s22+$0x0] =	vst.idx.msk $0xffff, v58;
	v28 =	vadd.f32 v50, v6  }
0xfe: {  	v63 =	vadd.s32 v2, v10;
	v31 =	vadd.f32 v52, v6;
	v32 =	vld [tilespmem:s15+$0x60];
	[tilespmem:v53+s22+$0x0] =	vst.idx.msk $0xffff, v61  }
0xff: {  	v33 =	vadd.f32 v54, v5;
	v34 =	vadd.s32 v2, v8;
	[tilespmem:v55+s22+$0x0] =	vst.idx.msk $0xffff, v28;
	v35 =	vld [tilespmem:s15+$0xFFFFFFE0]  }
0x100: {  	v37 =	vadd.s32 v2, v26;
	v39 =	vadd.f32 v60, v5;
	[tilespmem:v57+s22+$0x0] =	vst.idx.msk $0xffff, v31;
	v38 =	vld [tilespmem:s15+$0x20]  }
0x101: {  	v41 =	vadd.s32 v2, v27;
	v36 =	vadd.f32 v56, v5;
	[tilespmem:v59+s22+$0x0] =	vst.idx.msk $0xffff, v33;
	v40 =	vld [tilespmem:s15+$0xFFFFFFA0]  }
0x102: {  	v43 =	vadd.s32 v2, v30;
	v18 =	vadd.f32 v62, v5;
	v42 =	vld [tilespmem:s14+$0x70];
	[tilespmem:v29+s22+$0x0] =	vst.idx.msk $0xffff, v39  }
0x103: {  	v45 =	vadd.s32 v2, v13;
	[tilespmem:v63+s22+$0x0] =	vst.idx.msk $0xffff, v36;
	v47 =	vld [tilespmem:s14+$0x30];
	v44 =	vadd.f32 v32, v5  }
0x104: {  	v46 =	vadd.s32 v3, v7;
	[tilespmem:v34+s22+$0x0] =	vst.idx.msk $0xffff, v18;
	v21 =	vld [tilespmem:s14+$0xFFFFFFF0];
	v9 =	vadd.f32 v35, v5  }
0x105: {  	v18 =	vld [tilespmem:s14+$0xFFFFFFB0];
	v50 =	vadd.s32 v3, v11;
	[tilespmem:v37+s22+$0x0] =	vst.idx.msk $0xffff, v44;
	v49 =	vadd.f32 v38, v5  }
0x106: {  	v48 =	vadd.s32 v3, v10;
	v5 =	vadd.f32 v40, v5;
	v12 =	vld [tilespmem:s15+$0x70];
	[tilespmem:v41+s22+$0x0] =	vst.idx.msk $0xffff, v9  }
0x107: {  	v52 =	vadd.s32 v3, v8;
	v51 =	vadd.f32 v42, v4;
	[tilespmem:v43+s22+$0x0] =	vst.idx.msk $0xffff, v49;
	v53 =	vld [tilespmem:s15+$0xFFFFFFF0]  }
0x108: {  	v55 =	vadd.s32 v3, v26;
	v56 =	vadd.f32 v47, v4;
	[tilespmem:v45+s22+$0x0] =	vst.idx.msk $0xffff, v5;
	v5 =	vld [tilespmem:s15+$0x30]  }
0x109: {  	v58 =	vadd.s32 v3, v27;
	[tilespmem:v46+s22+$0x0] =	vst.idx.msk $0xffff, v51;
	v54 =	vadd.f32 v21, v4;
	v57 =	vld [tilespmem:s15+$0xFFFFFFB0]  }
0x10a: {  	v60 =	vadd.s32 v3, v30;
	v59 =	vadd.f32 v18, v4;
	[tilespmem:v50+s22+$0x0] =	vst.idx.msk $0xffff, v56  }
0x10b: {  	v62 =	vadd.s32 v3, v13;
	[tilespmem:v48+s22+$0x0] =	vst.idx.msk $0xffff, v54;
	v61 =	vadd.f32 v12, v4  }
0x10c: {  	[tilespmem:v52+s22+$0x0] =	vst.idx.msk $0xffff, v59;
	v63 =	vadd.f32 v53, v4  }
0x10d: {  	s13 =	sshll.u32 s13, $0x12;
	[tilespmem:v55+s22+$0x0] =	vst.idx.msk $0xffff, v61;
	v5 =	vadd.f32 v5, v4  }
0x10e: {  	s5 =	sor.u32 s7, s13;
	v4 =	vadd.f32 v57, v4;
	[tilespmem:v58+s22+$0x0] =	vst.idx.msk $0xffff, v63  }
0x10f: {  	s5 =	sshrl.u32 s5, $0x3;
	[tilespmem:v60+s22+$0x0] =	vst.idx.msk $0xffff, v5  }
0x110: {  	s5 =	sadd.s32 s2, s5;
	s14 =	simm.s32 $0x13800;
	[tilespmem:v62+s22+$0x0] =	vst.idx.msk $0xffff, v4  }
0x111: {  	[hbm4b:s5+s3] =	stream.linear.scatter [tilespmem:s14], [sflag:$0x6], $0x80, $0x38;
	[tilespmem:$0x19E00] =	vst v63  }
0x112: {  	s16 =	sadd.s32 $0x10, s5;
	s15 =	simm.s32 $0x13888  }
0x113: {  	[hbm4b:s16+s3] =	stream.linear.scatter [tilespmem:s15], [sflag:$0x6], $0x80, $0x38;
	[tilespmem:$0x19E00] =	vst v63  }
0x114: {  	s17 =	simm.s32 $0x13910;
	s6 =	sadd.s32 $0x20, s5  }
0x115: {  	[hbm4b:s6+s3] =	stream.linear.scatter [tilespmem:s17], [sflag:$0x6], $0x80, $0x38;
	[tilespmem:$0x19E00] =	vst v63  }
0x116: {  	s15 =	simm.s32 $0x13998;
	s16 =	sadd.s32 $0x30, s5  }
0x117: {  	[hbm4b:s16+s3] =	stream.linear.scatter [tilespmem:s15], [sflag:$0x6], $0x80, $0x38;
	[tilespmem:$0x19E00] =	vst v63  }
0x118: {  	s17 =	simm.s32 $0x13A20;
	s6 =	sadd.s32 $0x40, s5  }
0x119: {  	[hbm4b:s6+s3] =	stream.linear.scatter [tilespmem:s17], [sflag:$0x6], $0x80, $0x38;
	[tilespmem:$0x19E00] =	vst v63  }
0x11a: {  	s13 =	simm.s32 $0x440;
	s14 =	simm.s32 $0x13AA8;
	s15 =	sadd.s32 $0x50, s5  }
0x11b: {  	[hbm4b:s15+s3] =	stream.linear.scatter [tilespmem:s14], [sflag:$0x6], $0x80, $0x38;
	[tilespmem:$0x19E00] =	vst v63  }
0x11c: {  	s16 =	simm.s32 $0x13B30;
	s17 =	sadd.s32 $0x60, s5;
	s15 =	simm.s32 $0x2200  }
0x11d: {  	[hbm4b:s17+s3] =	stream.linear.scatter [tilespmem:s16], [sflag:$0x6], $0x80, $0x38;
	[tilespmem:$0x19E00] =	vst v63  }
0x11e: {  	s14 =	sadd.s32 $0x1000, s5;
	s16 =	simm.s32 $0x13BB8;
	s17 =	sadd.s32 $0x70, s5  }
.LBB2_9:
0x11f: {  	[hbm4b:s17+s3] =	stream.linear.scatter [tilespmem:s16], [sflag:$0x6], $0x80, $0x38;
	[tilespmem:$0x19E00] =	vst v63  }
0x120: {  	s5 =	smov.u32 s13;
	s13 =	smov.u32 s15  }
0x121: {  	s6 =	sadd.s32 $0x1100, s15;
	s13 =	sshra.s32 s13, $0x2;
	s16 =	sadd.s32 $0x13800, s5  }
0x122: {  	[hbm4b:s14+s3] =	stream.linear.scatter [tilespmem:s16], [sflag:$0x6], $0x80, $0x38;
	[tilespmem:$0x19E00] =	vst v63  }
0x123: {  	p2 =	sne.s32 s15, $0x7700;
	s15 =	sadd.s32 $0x13888, s5;
	s16 =	sadd.s32 $0x10, s14  }
0x124: {  	[hbm4b:s16+s3] =	stream.linear.scatter [tilespmem:s15], [sflag:$0x6], $0x80, $0x38;
	[tilespmem:$0x19E00] =	vst v63  }
0x125: {  	s15 =	sadd.s32 $0x13910, s5;
	s16 =	sadd.s32 $0x20, s14  }
0x126: {  	[hbm4b:s16+s3] =	stream.linear.scatter [tilespmem:s15], [sflag:$0x6], $0x80, $0x38;
	[tilespmem:$0x19E00] =	vst v63  }
0x127: {  	s15 =	sadd.s32 $0x13998, s5;
	s16 =	sadd.s32 $0x30, s14  }
0x128: {  	[hbm4b:s16+s3] =	stream.linear.scatter [tilespmem:s15], [sflag:$0x6], $0x80, $0x38;
	[tilespmem:$0x19E00] =	vst v63  }
0x129: {  	s15 =	sadd.s32 $0x13A20, s5;
	s16 =	sadd.s32 $0x40, s14  }
0x12a: {  	[hbm4b:s16+s3] =	stream.linear.scatter [tilespmem:s15], [sflag:$0x6], $0x80, $0x38;
	[tilespmem:$0x19E00] =	vst v63  }
.Ltmp5:
0x12b: {  	s15 =	sadd.s32 $0x13AA8, s5;
	s16 =	sadd.s32 $0x50, s14;
	(pc) =	sbr.rel @p2 .LBB2_9-.Ltmp5, $4  }
0x12c: {  	[hbm4b:s16+s3] =	stream.linear.scatter [tilespmem:s15], [sflag:$0x6], $0x80, $0x38;
	[tilespmem:$0x19E00] =	vst v63  }
0x12d: {  	s17 =	sadd.s32 $0x70, s14;
	s15 =	sadd.s32 $0x13B30, s5;
	s16 =	sadd.s32 $0x60, s14  }
0x12e: {  	[hbm4b:s16+s3] =	stream.linear.scatter [tilespmem:s15], [sflag:$0x6], $0x80, $0x38;
	[tilespmem:$0x19E00] =	vst v63  }
0x12f: {  	s14 =	sadd.s32 $0x1000, s14;
	s16 =	sadd.s32 $0x13BB8, s5;
	s15 =	smov.u32 s6  }
0x130: {  	[hbm4b:s17+s3] =	stream.linear.scatter [tilespmem:s16], [sflag:$0x6], $0x80, $0x38;
	[tilespmem:$0x19E00] =	vst v63  }
0x131: {  	s5 =	sadd.s32 $0x13800, s13  }
0x132: {  	[hbm4b:s14+s3] =	stream.linear.scatter [tilespmem:s5], [sflag:$0x6], $0x80, $0x38;
	[tilespmem:$0x19E00] =	vst v63  }
0x133: {  	s15 =	sadd.s32 $0x13888, s13;
	s6 =	sadd.s32 $0x10, s14  }
0x134: {  	[hbm4b:s6+s3] =	stream.linear.scatter [tilespmem:s15], [sflag:$0x6], $0x80, $0x38;
	[tilespmem:$0x19E00] =	vst v63  }
0x135: {  	s16 =	sadd.s32 $0x13910, s13;
	s17 =	sadd.s32 $0x20, s14  }
0x136: {  	[hbm4b:s17+s3] =	stream.linear.scatter [tilespmem:s16], [sflag:$0x6], $0x80, $0x38;
	[tilespmem:$0x19E00] =	vst v63  }
0x137: {  	s6 =	sadd.s32 $0x13998, s13;
	s15 =	sadd.s32 $0x30, s14  }
0x138: {  	[hbm4b:s15+s3] =	stream.linear.scatter [tilespmem:s6], [sflag:$0x6], $0x80, $0x38;
	[tilespmem:$0x19E00] =	vst v63  }
0x139: {  	s16 =	sadd.s32 $0x13A20, s13;
	s17 =	sadd.s32 $0x40, s14  }
0x13a: {  	[hbm4b:s17+s3] =	stream.linear.scatter [tilespmem:s16], [sflag:$0x6], $0x80, $0x38;
	[tilespmem:$0x19E00] =	vst v63  }
0x13b: {  	s6 =	sadd.s32 $0x13AA8, s13;
	s15 =	sadd.s32 $0x50, s14  }
0x13c: {  	[hbm4b:s15+s3] =	stream.linear.scatter [tilespmem:s6], [sflag:$0x6], $0x80, $0x38;
	[tilespmem:$0x19E00] =	vst v63  }
0x13d: {  	s16 =	sadd.s32 $0x13B30, s13;
	s17 =	sadd.s32 $0x60, s14  }
0x13e: {  	[hbm4b:s17+s3] =	stream.linear.scatter [tilespmem:s16], [sflag:$0x6], $0x80, $0x38;
	[tilespmem:$0x19E00] =	vst v63  }
0x13f: {  	s13 =	sadd.s32 $0x13BB8, s13;
	s14 =	sadd.s32 $0x70, s14  }
0x140: {  	[hbm4b:s14+s3] =	stream.linear.scatter [tilespmem:s13], [sflag:$0x6], $0x80, $0x38;
	[tilespmem:$0x19E00] =	vst v63  }
0x141: {  	s5 =	sadd.s32 @!p1 $0x280, s12;
	s6 =	simm.s32 @!p1 $0x80;
	s13 =	simm.s32 @!p1 $0xB600  }
0x142: {  	[tilespmem:s13], [sflag:$0x2] =	stream.indirect.gather @!p1 [hbm4b:s4+s6], $0x40, s5, s6, $0xb8;
	[tilespmem:$0x19E00] =	vst v63  }
0x143: {  	_ =	swait.ge [sflag:s23], $0x2000  }
0x144: {  	[sflag:s23] =	ssyncset.done $0x0  }
0x145: {  	s5 =	simm.s32 @!p0 $0x7;
	[sflag:s23] =	ssyncadd.s32 $0xFFFFE000  }
0x146: {  	s13 =	sor.u32 $0x2, s9;
	_ =	swait.ge @!p0 [sflag:s5], $0x2000  }
0x147: {  	s15 =	sshll.u32 s13, $0x6;
	[sflag:s5] =	ssyncset.done @!p0 $0x0  }
0x148: {  	[sflag:s5] =	ssyncadd.s32 @!p0 $0xFFFFE000;
	s5 =	sand.u32 $0x3FFFFFC0, s15  }
0x149: {  	s17 =	simm.s32 $0xD680;
	s16 =	simm.s32 $0x3;
	v9 =	vld [tilespmem:s5+$0x6400]  }
0x14a: {  	v4 =	vmov s16;
	v7 =	vld [tilespmem:s17+$0x40]  }
0x14b: {  	v13 =	vand.u32 $0x7F, v4  }
0x14c: {  	s14 =	simm.s32 $0x0;
	v8 =	vadd.s32 v0, v13;
	v6 =	vld [tilespmem:s5+$0x6410]  }
0x14d: {  	s16 =	simm.s32 $0x2;
	v4 =	vmov s14;
	s15 =	simm.s32 $0x1;
	v10 =	vld [tilespmem:s17+$0xFFFFFF80]  }
0x14e: {  	v14 =	vmov s16;
	v12 =	vand.u32 $0x7C, v4;
	v4 =	vmov s15;
	v11 =	vld [tilespmem:s17+$0xFFFFFFC0]  }
0x14f: {  	v15 =	vadd.s32 v0, v12;
	v16 =	vld [tilespmem:s17+$0x0];
	v19 =	vand.u32 $0x7D, v4;
	v7 =	vadd.f32 v7, v9  }
0x150: {  	v20 =	vand.u32 $0x7E, v14;
	v5 =	vld [tilespmem:s5+$0x6420];
	v17 =	vadd.s32 v0, v19  }
0x151: {  	v14 =	vadd.s32 v0, v20;
	v4 =	vld [tilespmem:s5+$0x6430];
	[tilespmem:v8+s24+$0x0] =	vst.idx.msk $0xffff, v7  }
0x152: {  	v7 =	vadd.f32 v10, v9;
	v8 =	vld [tilespmem:s17+$0x50]  }
0x153: {  	v10 =	vadd.f32 v11, v9  }
0x154: {  	v11 =	vadd.s32 v1, v13;
	[tilespmem:v15+s24+$0x0] =	vst.idx.msk $0xffff, v7;
	v7 =	vadd.f32 v16, v9  }
0x155: {  	[tilespmem:v17+s24+$0x0] =	vst.idx.msk $0xffff, v10;
	v15 =	vld [tilespmem:s17+$0xFFFFFF90]  }
0x156: {  	v10 =	vld [tilespmem:s17+$0xFFFFFFD0];
	[tilespmem:v14+s24+$0x0] =	vst.idx.msk $0xffff, v7  }
0x157: {  	v14 =	vld [tilespmem:s17+$0x10];
	v7 =	vadd.f32 v8, v6  }
0x158: {  	s16 =	simm.s32 $0x7;
	s14 =	simm.s32 $0xD780;
	v16 =	vadd.s32 v1, v19  }
0x159: {  	v26 =	vadd.s32 v2, v13;
	s15 =	simm.s32 $0x4;
	v18 =	vld [tilespmem:s14+$0x40];
	v17 =	vadd.s32 v1, v20;
	[tilespmem:v11+s24+$0x0] =	vst.idx.msk $0xffff, v7;
	v7 =	vmov s16  }
0x15a: {  	v21 =	vadd.s32 v1, v12;
	v8 =	vmov s15;
	v7 =	vand.u32 $0x7F, v7;
	v22 =	vld [tilespmem:s17+$0x60]  }
0x15b: {  	v23 =	vld [tilespmem:s14+$0xFFFFFF80];
	s15 =	simm.s32 $0x5;
	v8 =	vand.u32 $0x7C, v8;
	v10 =	vadd.f32 v10, v6;
	v24 =	vadd.s32 v0, v7  }
0x15c: {  	v25 =	vld [tilespmem:s14+$0xFFFFFFC0];
	v15 =	vadd.f32 v15, v6;
	s16 =	simm.s32 $0x6;
	v11 =	vadd.f32 v14, v6;
	v14 =	vmov s15  }
0x15d: {  	v27 =	vadd.s32 v0, v8;
	[tilespmem:v16+s24+$0x0] =	vst.idx.msk $0xffff, v10;
	v16 =	vmov s16;
	v10 =	vand.u32 $0x7D, v14;
	v14 =	vld [tilespmem:s14+$0x0]  }
0x15e: {  	[tilespmem:v17+s24+$0x0] =	vst.idx.msk $0xffff, v11;
	v17 =	vadd.s32 v0, v10;
	v11 =	vand.u32 $0x7E, v16;
	v16 =	vadd.f32 v18, v9;
	v18 =	vld [tilespmem:s17+$0xFFFFFFE0]  }
0x15f: {  	[tilespmem:v21+s24+$0x0] =	vst.idx.msk $0xffff, v15;
	v15 =	vadd.s32 v0, v11;
	v21 =	vld [tilespmem:s17+$0x20];
	v22 =	vadd.f32 v22, v5  }
0x160: {  	v23 =	vadd.f32 v23, v9;
	[tilespmem:v24+s24+$0x0] =	vst.idx.msk $0xffff, v16;
	v16 =	vld [tilespmem:s17+$0xFFFFFFA0];
	v24 =	vadd.s32 v2, v19  }
0x161: {  	v29 =	vadd.s32 v2, v20;
	v25 =	vadd.f32 v25, v9;
	v28 =	vld [tilespmem:s14+$0x50];
	[tilespmem:v26+s24+$0x0] =	vst.idx.msk $0xffff, v22  }
0x162: {  	[tilespmem:v27+s24+$0x0] =	vst.idx.msk $0xffff, v23;
	v23 =	vadd.s32 v2, v12;
	v14 =	vadd.f32 v14, v9;
	v26 =	vld [tilespmem:s17+$0x70]  }
0x163: {  	v27 =	vld [tilespmem:s14+$0xFFFFFF90];
	[tilespmem:v17+s24+$0x0] =	vst.idx.msk $0xffff, v25;
	v25 =	vadd.s32 v1, v7;
	v18 =	vadd.f32 v18, v5  }
0x164: {  	v31 =	vadd.s32 v3, v13;
	v30 =	vld [tilespmem:s14+$0xFFFFFFD0];
	[tilespmem:v15+s24+$0x0] =	vst.idx.msk $0xffff, v14;
	v14 =	vadd.f32 v21, v5  }
0x165: {  	v22 =	vadd.s32 v1, v8;
	v17 =	vld [tilespmem:s14+$0x10];
	v13 =	vadd.f32 v16, v5;
	[tilespmem:v24+s24+$0x0] =	vst.idx.msk $0xffff, v18  }
0x166: {  	s16 =	simm.s32 $0x8;
	v21 =	vadd.s32 v1, v10;
	[tilespmem:v29+s24+$0x0] =	vst.idx.msk $0xffff, v14;
	v18 =	vadd.f32 v28, v6;
	v16 =	vld [tilespmem:s17+$0xFFFFFFF0]  }
0x167: {  	v24 =	vmov s16;
	v14 =	vadd.s32 v1, v11;
	v15 =	vld [tilespmem:s17+$0x30];
	[tilespmem:v23+s24+$0x0] =	vst.idx.msk $0xffff, v13;
	v63 =	vadd.f32 v26, v4  }
0x168: {  	s6 =	simm.s32 $0xB;
	s15 =	simm.s32 $0xD880;
	v19 =	vadd.s32 v3, v19;
	v13 =	vand.u32 $0x7C, v24;
	v24 =	vadd.f32 v27, v6;
	[tilespmem:v25+s24+$0x0] =	vst.idx.msk $0xffff, v18;
	v18 =	vld [tilespmem:s17+$0xFFFFFFB0]  }
0x169: {  	v20 =	vadd.s32 v3, v20;
	v26 =	vmov s6;
	v23 =	vld [tilespmem:s15+$0x40];
	s17 =	simm.s32 $0xC;
	v25 =	vadd.f32 v30, v6;
	[tilespmem:v31+s24+$0x0] =	vst.idx.msk $0xffff, v63  }
.LBB2_11:
0x16a: {  	p2 =	slt.u32 s17, $0x7C;
	s5 =	sadd.s32 $0x1, s16;
	v26 =	vand.u32 $0x7F, v26;
	[tilespmem:v22+s24+$0x0] =	vst.idx.msk $0xffff, v24;
	v17 =	vadd.f32 v17, v6;
	v22 =	vld [tilespmem:s14+$0x60];
	v24 =	vadd.s32 v3, v12  }
0x16b: {  	v30 =	vmovc v11;
	v27 =	vld [tilespmem:s15+$0xFFFFFF80];
	v28 =	vmov s5;
	s5 =	sadd.s32 $0x2, s16;
	v29 =	vadd.s32 v0, v26;
	[tilespmem:v21+s24+$0x0] =	vst.idx.msk $0xffff, v25;
	v16 =	vadd.f32 v16, v4;
	s16 =	smov.u32 s17  }
0x16c: {  	v12 =	vmovc v8;
	v21 =	vld [tilespmem:s15+$0xFFFFFFC0];
	v11 =	vmov s5;
	[tilespmem:v14+s24+$0x0] =	vst.idx.msk $0xffff, v17;
	v14 =	vadd.s32 v2, v7;
	v15 =	vadd.f32 v15, v4  }
0x16d: {  	v17 =	vadd.s32 v0, v13;
	v28 =	vand.u32 $0x7D, v28;
	v25 =	vld [tilespmem:s15+$0x0];
	v31 =	vadd.f32 v18, v4;
	[tilespmem:v19+s24+$0x0] =	vst.idx.msk $0xffff, v16  }
0x16e: {  	v16 =	vadd.s32 v0, v28;
	v11 =	vand.u32 $0x7E, v11;
	v18 =	vadd.f32 v23, v9;
	v19 =	vld [tilespmem:s14+$0xFFFFFFE0];
	[tilespmem:v20+s24+$0x0] =	vst.idx.msk $0xffff, v15  }
0x16f: {  	v8 =	vmov v13;
	v15 =	vadd.s32 v0, v11;
	v20 =	vld [tilespmem:s14+$0x20];
	v22 =	vadd.f32 v22, v5;
	[tilespmem:v24+s24+$0x0] =	vst.idx.msk $0xffff, v31  }
0x170: {  	v23 =	vadd.s32 v2, v10;
	v13 =	vadd.f32 v27, v9;
	[tilespmem:v29+s24+$0x0] =	vst.idx.msk $0xffff, v18;
	v18 =	vld [tilespmem:s14+$0xFFFFFFA0]  }
0x171: {  	v27 =	vadd.s32 v2, v30;
	v21 =	vadd.f32 v21, v9;
	v24 =	vld [tilespmem:s15+$0x50];
	[tilespmem:v14+s24+$0x0] =	vst.idx.msk $0xffff, v22  }
0x172: {  	[tilespmem:v17+s24+$0x0] =	vst.idx.msk $0xffff, v13;
	v13 =	vadd.f32 v25, v9;
	v25 =	vadd.s32 v2, v12;
	v29 =	vld [tilespmem:s14+$0x70]  }
0x173: {  	v32 =	vadd.s32 v1, v26;
	v31 =	vld [tilespmem:s15+$0xFFFFFF90];
	[tilespmem:v16+s24+$0x0] =	vst.idx.msk $0xffff, v21;
	v14 =	vadd.f32 v19, v5  }
0x174: {  	v34 =	vadd.s32 v3, v7;
	v7 =	vmov v26;
	v33 =	vld [tilespmem:s15+$0xFFFFFFD0];
	[tilespmem:v15+s24+$0x0] =	vst.idx.msk $0xffff, v13;
	v13 =	vadd.f32 v20, v5  }
.Ltmp6:
0x175: {  	v22 =	vadd.s32 v1, v8;
	v17 =	vld [tilespmem:s15+$0x10];
	v15 =	vadd.f32 v18, v5;
	[tilespmem:v23+s24+$0x0] =	vst.idx.msk $0xffff, v14;
	(pc) =	sbr.rel @p2 .LBB2_11-.Ltmp6, $4  }
0x176: {  	v21 =	vadd.s32 v1, v28;
	v18 =	vadd.f32 v24, v6;
	v16 =	vld [tilespmem:s14+$0xFFFFFFF0];
	[tilespmem:v27+s24+$0x0] =	vst.idx.msk $0xffff, v13  }
0x177: {  	v14 =	vadd.s32 v1, v11;
	v13 =	vmov s17;
	[tilespmem:v25+s24+$0x0] =	vst.idx.msk $0xffff, v15;
	v15 =	vld [tilespmem:s14+$0x30];
	v27 =	vadd.f32 v29, v4  }
0x178: {  	s5 =	sadd.s32 $0x3, s17;
	v19 =	vadd.s32 v3, v10;
	v13 =	vand.u32 $0x7C, v13;
	v24 =	vadd.f32 v31, v6;
	[tilespmem:v32+s24+$0x0] =	vst.idx.msk $0xffff, v18;
	v18 =	vld [tilespmem:s14+$0xFFFFFFB0];
	s14 =	smov.u32 s15;
	s15 =	sadd.s32 $0x100, s15  }
0x179: {  	v26 =	vmov s5;
	v10 =	vmovc v28;
	v20 =	vadd.s32 v3, v30;
	s17 =	sadd.s32 $0x4, s17;
	v23 =	vld [tilespmem:s15+$0x40];
	v25 =	vadd.f32 v33, v6;
	[tilespmem:v34+s24+$0x0] =	vst.idx.msk $0xffff, v27  }
0x17a: {  	s5 =	sadd.s32 $0x1, s16  }
0x17b: {  	v26 =	vand.u32 $0x7F, v26;
	s6 =	sadd.s32 $0x2, s16;
	v28 =	vld [tilespmem:s15+$0xFFFFFFC0];
	v27 =	vmov s5  }
0x17c: {  	v31 =	vld [tilespmem:s15+$0x0];
	v29 =	vadd.s32 v0, v26;
	v30 =	vmov s6;
	v27 =	vand.u32 $0x7D, v27  }
0x17d: {  	v32 =	vld [tilespmem:s15+$0xFFFFFF80];
	v30 =	vand.u32 $0x7E, v30;
	v33 =	vadd.s32 v0, v27  }
0x17e: {  	v34 =	vadd.s32 v0, v30  }
0x17f: {  	[tilespmem:v22+s24+$0x0] =	vst.idx.msk $0xffff, v24;
	v44 =	vadd.s32 v0, v13;
	v23 =	vadd.f32 v23, v9  }
0x180: {  	[tilespmem:v21+s24+$0x0] =	vst.idx.msk $0xffff, v25;
	v45 =	vadd.f32 v28, v9  }
0x181: {  	v46 =	vadd.f32 v31, v9;
	[tilespmem:v29+s24+$0x0] =	vst.idx.msk $0xffff, v23  }
0x182: {  	v47 =	vadd.f32 v32, v9;
	v48 =	vld [tilespmem:s15+$0x50];
	[tilespmem:v33+s24+$0x0] =	vst.idx.msk $0xffff, v45  }
0x183: {  	v17 =	vadd.f32 v17, v6;
	v12 =	vadd.s32 v3, v12;
	[tilespmem:v34+s24+$0x0] =	vst.idx.msk $0xffff, v46;
	v21 =	vld [tilespmem:s15+$0xFFFFFFD0]  }
0x184: {  	v16 =	vadd.f32 v16, v4;
	v49 =	vadd.s32 v1, v26;
	[tilespmem:v44+s24+$0x0] =	vst.idx.msk $0xffff, v47;
	v50 =	vld [tilespmem:s15+$0x10]  }
0x185: {  	[tilespmem:v14+s24+$0x0] =	vst.idx.msk $0xffff, v17;
	v51 =	vadd.f32 v15, v4;
	v53 =	vadd.s32 v1, v27;
	v52 =	vld [tilespmem:s15+$0xFFFFFF90]  }
0x186: {  	v54 =	vld [tilespmem:s14+$0x60];
	v18 =	vadd.f32 v18, v4;
	[tilespmem:v19+s24+$0x0] =	vst.idx.msk $0xffff, v16;
	v55 =	vadd.s32 v1, v30  }
0x187: {  	v57 =	vadd.s32 v1, v13;
	v60 =	vld [tilespmem:s14+$0x20];
	[tilespmem:v20+s24+$0x0] =	vst.idx.msk $0xffff, v51;
	v58 =	vadd.f32 v48, v6  }
0x188: {  	v59 =	vadd.s32 v2, v7;
	v56 =	vld [tilespmem:s14+$0xFFFFFFE0];
	[tilespmem:v12+s24+$0x0] =	vst.idx.msk $0xffff, v18;
	v61 =	vadd.f32 v21, v6  }
0x189: {  	v62 =	vld [tilespmem:s14+$0xFFFFFFA0];
	v29 =	vadd.s32 v2, v11;
	[tilespmem:v49+s24+$0x0] =	vst.idx.msk $0xffff, v58;
	v28 =	vadd.f32 v50, v6  }
0x18a: {  	v63 =	vadd.s32 v2, v10;
	v31 =	vadd.f32 v52, v6;
	v32 =	vld [tilespmem:s15+$0x60];
	[tilespmem:v53+s24+$0x0] =	vst.idx.msk $0xffff, v61  }
0x18b: {  	v33 =	vadd.f32 v54, v5;
	v34 =	vadd.s32 v2, v8;
	[tilespmem:v55+s24+$0x0] =	vst.idx.msk $0xffff, v28;
	v35 =	vld [tilespmem:s15+$0xFFFFFFE0]  }
0x18c: {  	v37 =	vadd.s32 v2, v26;
	v39 =	vadd.f32 v60, v5;
	[tilespmem:v57+s24+$0x0] =	vst.idx.msk $0xffff, v31;
	v38 =	vld [tilespmem:s15+$0x20]  }
0x18d: {  	v41 =	vadd.s32 v2, v27;
	v36 =	vadd.f32 v56, v5;
	[tilespmem:v59+s24+$0x0] =	vst.idx.msk $0xffff, v33;
	v40 =	vld [tilespmem:s15+$0xFFFFFFA0]  }
0x18e: {  	v43 =	vadd.s32 v2, v30;
	v18 =	vadd.f32 v62, v5;
	v42 =	vld [tilespmem:s14+$0x70];
	[tilespmem:v29+s24+$0x0] =	vst.idx.msk $0xffff, v39  }
0x18f: {  	v45 =	vadd.s32 v2, v13;
	[tilespmem:v63+s24+$0x0] =	vst.idx.msk $0xffff, v36;
	v47 =	vld [tilespmem:s14+$0x30];
	v44 =	vadd.f32 v32, v5  }
0x190: {  	v46 =	vadd.s32 v3, v7;
	[tilespmem:v34+s24+$0x0] =	vst.idx.msk $0xffff, v18;
	v21 =	vld [tilespmem:s14+$0xFFFFFFF0];
	v9 =	vadd.f32 v35, v5  }
0x191: {  	v18 =	vld [tilespmem:s14+$0xFFFFFFB0];
	v50 =	vadd.s32 v3, v11;
	[tilespmem:v37+s24+$0x0] =	vst.idx.msk $0xffff, v44;
	v49 =	vadd.f32 v38, v5  }
0x192: {  	v48 =	vadd.s32 v3, v10;
	v5 =	vadd.f32 v40, v5;
	v12 =	vld [tilespmem:s15+$0x70];
	[tilespmem:v41+s24+$0x0] =	vst.idx.msk $0xffff, v9  }
0x193: {  	v52 =	vadd.s32 v3, v8;
	v51 =	vadd.f32 v42, v4;
	[tilespmem:v43+s24+$0x0] =	vst.idx.msk $0xffff, v49;
	v53 =	vld [tilespmem:s15+$0xFFFFFFF0]  }
0x194: {  	v55 =	vadd.s32 v3, v26;
	v56 =	vadd.f32 v47, v4;
	[tilespmem:v45+s24+$0x0] =	vst.idx.msk $0xffff, v5;
	v5 =	vld [tilespmem:s15+$0x30]  }
0x195: {  	v58 =	vadd.s32 v3, v27;
	[tilespmem:v46+s24+$0x0] =	vst.idx.msk $0xffff, v51;
	v54 =	vadd.f32 v21, v4;
	v57 =	vld [tilespmem:s15+$0xFFFFFFB0]  }
0x196: {  	v60 =	vadd.s32 v3, v30;
	v59 =	vadd.f32 v18, v4;
	[tilespmem:v50+s24+$0x0] =	vst.idx.msk $0xffff, v56  }
0x197: {  	v62 =	vadd.s32 v3, v13;
	[tilespmem:v48+s24+$0x0] =	vst.idx.msk $0xffff, v54;
	v61 =	vadd.f32 v12, v4  }
0x198: {  	[tilespmem:v52+s24+$0x0] =	vst.idx.msk $0xffff, v59;
	v63 =	vadd.f32 v53, v4  }
0x199: {  	s13 =	sshll.u32 s13, $0x12;
	[tilespmem:v55+s24+$0x0] =	vst.idx.msk $0xffff, v61;
	v5 =	vadd.f32 v5, v4  }
0x19a: {  	s5 =	sor.u32 s7, s13;
	v4 =	vadd.f32 v57, v4;
	[tilespmem:v58+s24+$0x0] =	vst.idx.msk $0xffff, v63  }
0x19b: {  	s5 =	sshrl.u32 s5, $0x3;
	[tilespmem:v60+s24+$0x0] =	vst.idx.msk $0xffff, v5  }
0x19c: {  	s6 =	simm.s32 $0x15A00;
	s5 =	sadd.s32 s2, s5;
	[tilespmem:v62+s24+$0x0] =	vst.idx.msk $0xffff, v4  }
0x19d: {  	[hbm4b:s5+s3] =	stream.linear.scatter [tilespmem:s6], [sflag:$0x7], $0x80, $0x38;
	[tilespmem:$0x19E00] =	vst v63  }
0x19e: {  	s14 =	simm.s32 $0x15A88;
	s15 =	sadd.s32 $0x10, s5  }
0x19f: {  	[hbm4b:s15+s3] =	stream.linear.scatter [tilespmem:s14], [sflag:$0x7], $0x80, $0x38;
	[tilespmem:$0x19E00] =	vst v63  }
0x1a0: {  	s16 =	simm.s32 $0x15B10;
	s17 =	sadd.s32 $0x20, s5  }
0x1a1: {  	[hbm4b:s17+s3] =	stream.linear.scatter [tilespmem:s16], [sflag:$0x7], $0x80, $0x38;
	[tilespmem:$0x19E00] =	vst v63  }
0x1a2: {  	s14 =	simm.s32 $0x15B98;
	s15 =	sadd.s32 $0x30, s5  }
0x1a3: {  	[hbm4b:s15+s3] =	stream.linear.scatter [tilespmem:s14], [sflag:$0x7], $0x80, $0x38;
	[tilespmem:$0x19E00] =	vst v63  }
0x1a4: {  	s16 =	simm.s32 $0x15C20;
	s17 =	sadd.s32 $0x40, s5  }
0x1a5: {  	[hbm4b:s17+s3] =	stream.linear.scatter [tilespmem:s16], [sflag:$0x7], $0x80, $0x38;
	[tilespmem:$0x19E00] =	vst v63  }
0x1a6: {  	s13 =	simm.s32 $0x440;
	s14 =	simm.s32 $0x15CA8;
	s15 =	sadd.s32 $0x50, s5  }
0x1a7: {  	[hbm4b:s15+s3] =	stream.linear.scatter [tilespmem:s14], [sflag:$0x7], $0x80, $0x38;
	[tilespmem:$0x19E00] =	vst v63  }
0x1a8: {  	s16 =	simm.s32 $0x15D30;
	s17 =	sadd.s32 $0x60, s5;
	s15 =	simm.s32 $0x2200  }
0x1a9: {  	[hbm4b:s17+s3] =	stream.linear.scatter [tilespmem:s16], [sflag:$0x7], $0x80, $0x38;
	[tilespmem:$0x19E00] =	vst v63  }
0x1aa: {  	s14 =	sadd.s32 $0x1000, s5;
	s16 =	simm.s32 $0x15DB8;
	s17 =	sadd.s32 $0x70, s5  }
.LBB2_13:
0x1ab: {  	[hbm4b:s17+s3] =	stream.linear.scatter [tilespmem:s16], [sflag:$0x7], $0x80, $0x38;
	[tilespmem:$0x19E00] =	vst v63  }
0x1ac: {  	s5 =	smov.u32 s13;
	s6 =	smov.u32 s15  }
0x1ad: {  	s13 =	sshra.s32 s6, $0x2;
	s6 =	sadd.s32 $0x1100, s15;
	s16 =	sadd.s32 $0x15A00, s5  }
0x1ae: {  	[hbm4b:s14+s3] =	stream.linear.scatter [tilespmem:s16], [sflag:$0x7], $0x80, $0x38;
	[tilespmem:$0x19E00] =	vst v63  }
0x1af: {  	p2 =	sne.s32 s15, $0x7700;
	s15 =	sadd.s32 $0x15A88, s5;
	s16 =	sadd.s32 $0x10, s14  }
0x1b0: {  	[hbm4b:s16+s3] =	stream.linear.scatter [tilespmem:s15], [sflag:$0x7], $0x80, $0x38;
	[tilespmem:$0x19E00] =	vst v63  }
0x1b1: {  	s15 =	sadd.s32 $0x15B10, s5;
	s16 =	sadd.s32 $0x20, s14  }
0x1b2: {  	[hbm4b:s16+s3] =	stream.linear.scatter [tilespmem:s15], [sflag:$0x7], $0x80, $0x38;
	[tilespmem:$0x19E00] =	vst v63  }
0x1b3: {  	s15 =	sadd.s32 $0x15B98, s5;
	s16 =	sadd.s32 $0x30, s14  }
0x1b4: {  	[hbm4b:s16+s3] =	stream.linear.scatter [tilespmem:s15], [sflag:$0x7], $0x80, $0x38;
	[tilespmem:$0x19E00] =	vst v63  }
0x1b5: {  	s15 =	sadd.s32 $0x15C20, s5;
	s16 =	sadd.s32 $0x40, s14  }
0x1b6: {  	[hbm4b:s16+s3] =	stream.linear.scatter [tilespmem:s15], [sflag:$0x7], $0x80, $0x38;
	[tilespmem:$0x19E00] =	vst v63  }
.Ltmp7:
0x1b7: {  	s15 =	sadd.s32 $0x15CA8, s5;
	s16 =	sadd.s32 $0x50, s14;
	(pc) =	sbr.rel @p2 .LBB2_13-.Ltmp7, $4  }
0x1b8: {  	[hbm4b:s16+s3] =	stream.linear.scatter [tilespmem:s15], [sflag:$0x7], $0x80, $0x38;
	[tilespmem:$0x19E00] =	vst v63  }
0x1b9: {  	s17 =	sadd.s32 $0x70, s14;
	s15 =	sadd.s32 $0x15D30, s5;
	s16 =	sadd.s32 $0x60, s14  }
0x1ba: {  	[hbm4b:s16+s3] =	stream.linear.scatter [tilespmem:s15], [sflag:$0x7], $0x80, $0x38;
	[tilespmem:$0x19E00] =	vst v63  }
0x1bb: {  	s14 =	sadd.s32 $0x1000, s14;
	s16 =	sadd.s32 $0x15DB8, s5;
	s15 =	smov.u32 s6  }
0x1bc: {  	[hbm4b:s17+s3] =	stream.linear.scatter [tilespmem:s16], [sflag:$0x7], $0x80, $0x38;
	[tilespmem:$0x19E00] =	vst v63  }
0x1bd: {  	s5 =	sadd.s32 $0x15A00, s13  }
0x1be: {  	[hbm4b:s14+s3] =	stream.linear.scatter [tilespmem:s5], [sflag:$0x7], $0x80, $0x38;
	[tilespmem:$0x19E00] =	vst v63  }
0x1bf: {  	s17 =	sadd.s32 $0x15A88, s13;
	s6 =	sadd.s32 $0x10, s14  }
0x1c0: {  	[hbm4b:s6+s3] =	stream.linear.scatter [tilespmem:s17], [sflag:$0x7], $0x80, $0x38;
	[tilespmem:$0x19E00] =	vst v63  }
0x1c1: {  	s15 =	sadd.s32 $0x20, s14;
	s6 =	sadd.s32 $0x15B10, s13  }
0x1c2: {  	[hbm4b:s15+s3] =	stream.linear.scatter [tilespmem:s6], [sflag:$0x7], $0x80, $0x38;
	[tilespmem:$0x19E00] =	vst v63  }
0x1c3: {  	s16 =	sadd.s32 $0x15B98, s13;
	s17 =	sadd.s32 $0x30, s14  }
0x1c4: {  	[hbm4b:s17+s3] =	stream.linear.scatter [tilespmem:s16], [sflag:$0x7], $0x80, $0x38;
	[tilespmem:$0x19E00] =	vst v63  }
0x1c5: {  	s6 =	sadd.s32 $0x15C20, s13;
	s15 =	sadd.s32 $0x40, s14  }
0x1c6: {  	[hbm4b:s15+s3] =	stream.linear.scatter [tilespmem:s6], [sflag:$0x7], $0x80, $0x38;
	[tilespmem:$0x19E00] =	vst v63  }
0x1c7: {  	s16 =	sadd.s32 $0x15CA8, s13;
	s17 =	sadd.s32 $0x50, s14  }
0x1c8: {  	[hbm4b:s17+s3] =	stream.linear.scatter [tilespmem:s16], [sflag:$0x7], $0x80, $0x38;
	[tilespmem:$0x19E00] =	vst v63  }
0x1c9: {  	s6 =	sadd.s32 $0x15D30, s13;
	s15 =	sadd.s32 $0x60, s14  }
0x1ca: {  	[hbm4b:s15+s3] =	stream.linear.scatter [tilespmem:s6], [sflag:$0x7], $0x80, $0x38;
	[tilespmem:$0x19E00] =	vst v63  }
0x1cb: {  	s16 =	sadd.s32 $0x15DB8, s13;
	s17 =	sadd.s32 $0x70, s14  }
0x1cc: {  	[hbm4b:s17+s3] =	stream.linear.scatter [tilespmem:s16], [sflag:$0x7], $0x80, $0x38;
	[tilespmem:$0x19E00] =	vst v63  }
0x1cd: {  	s5 =	sadd.s32 @!p1 $0x300, s12;
	s12 =	simm.s32 @!p1 $0xD600;
	s6 =	simm.s32 @!p1 $0x80  }
0x1ce: {  	[tilespmem:s12], [sflag:$0x3] =	stream.indirect.gather @!p1 [hbm4b:s4+s6], $0x40, s5, s6, $0xb8;
	[tilespmem:$0x19E00] =	vst v63  }
0x1cf: {  	_ =	swait.ge [sflag:s25], $0x2000  }
0x1d0: {  	[sflag:s25] =	ssyncset.done $0x0  }
0x1d1: {  	s5 =	simm.s32 @!p0 $0x8;
	[sflag:s25] =	ssyncadd.s32 $0xFFFFE000  }
0x1d2: {  	s9 =	sor.u32 $0x3, s9;
	_ =	swait.ge @!p0 [sflag:s5], $0x2000  }
0x1d3: {  	s12 =	sshll.u32 s9, $0x6;
	[sflag:s5] =	ssyncset.done @!p0 $0x0  }
0x1d4: {  	[sflag:s5] =	ssyncadd.s32 @!p0 $0xFFFFE000;
	s5 =	sand.u32 $0x3FFFFFC0, s12  }
0x1d5: {  	s13 =	simm.s32 $0x3;
	s15 =	simm.s32 $0xF680;
	v9 =	vld [tilespmem:s5+$0x6400]  }
0x1d6: {  	v4 =	vmov s13;
	v7 =	vld [tilespmem:s15+$0x40]  }
0x1d7: {  	s14 =	simm.s32 $0x0;
	v13 =	vand.u32 $0x7F, v4  }
0x1d8: {  	v4 =	vmov s14;
	v8 =	vadd.s32 v0, v13;
	v6 =	vld [tilespmem:s5+$0x6410]  }
0x1d9: {  	v12 =	vand.u32 $0x7C, v4;
	s16 =	simm.s32 $0x1;
	v10 =	vld [tilespmem:s15+$0xFFFFFF80]  }
0x1da: {  	s17 =	simm.s32 $0x2;
	v15 =	vadd.s32 v0, v12;
	v4 =	vmov s16;
	v11 =	vld [tilespmem:s15+$0xFFFFFFC0]  }
0x1db: {  	v14 =	vmov s17;
	v19 =	vand.u32 $0x7D, v4;
	v16 =	vld [tilespmem:s15+$0x0];
	v7 =	vadd.f32 v7, v9  }
0x1dc: {  	v20 =	vand.u32 $0x7E, v14;
	v17 =	vadd.s32 v0, v19;
	v5 =	vld [tilespmem:s5+$0x6420]  }
0x1dd: {  	v14 =	vadd.s32 v0, v20;
	v4 =	vld [tilespmem:s5+$0x6430];
	[tilespmem:v8+s26+$0x0] =	vst.idx.msk $0xffff, v7  }
0x1de: {  	v7 =	vadd.f32 v10, v9;
	v8 =	vld [tilespmem:s15+$0x50]  }
0x1df: {  	v10 =	vadd.f32 v11, v9  }
0x1e0: {  	v11 =	vadd.s32 v1, v13;
	[tilespmem:v15+s26+$0x0] =	vst.idx.msk $0xffff, v7;
	v7 =	vadd.f32 v16, v9  }
0x1e1: {  	[tilespmem:v17+s26+$0x0] =	vst.idx.msk $0xffff, v10;
	v15 =	vld [tilespmem:s15+$0xFFFFFF90]  }
0x1e2: {  	v10 =	vld [tilespmem:s15+$0xFFFFFFD0];
	[tilespmem:v14+s26+$0x0] =	vst.idx.msk $0xffff, v7  }
0x1e3: {  	v14 =	vld [tilespmem:s15+$0x10];
	v7 =	vadd.f32 v8, v6  }
0x1e4: {  	s13 =	simm.s32 $0x7;
	s12 =	simm.s32 $0xF780;
	v16 =	vadd.s32 v1, v19  }
0x1e5: {  	v26 =	vadd.s32 v2, v13;
	s6 =	simm.s32 $0x4;
	v18 =	vld [tilespmem:s12+$0x40];
	v17 =	vadd.s32 v1, v20;
	[tilespmem:v11+s26+$0x0] =	vst.idx.msk $0xffff, v7;
	v7 =	vmov s13  }
0x1e6: {  	v21 =	vadd.s32 v1, v12;
	v8 =	vmov s6;
	v7 =	vand.u32 $0x7F, v7;
	v22 =	vld [tilespmem:s15+$0x60]  }
0x1e7: {  	s14 =	simm.s32 $0x5;
	v23 =	vld [tilespmem:s12+$0xFFFFFF80];
	v8 =	vand.u32 $0x7C, v8;
	v10 =	vadd.f32 v10, v6;
	v24 =	vadd.s32 v0, v7  }
0x1e8: {  	s16 =	simm.s32 $0x6;
	v25 =	vld [tilespmem:s12+$0xFFFFFFC0];
	v15 =	vadd.f32 v15, v6;
	v11 =	vadd.f32 v14, v6;
	v14 =	vmov s14  }
0x1e9: {  	v27 =	vadd.s32 v0, v8;
	[tilespmem:v16+s26+$0x0] =	vst.idx.msk $0xffff, v10;
	v16 =	vmov s16;
	v10 =	vand.u32 $0x7D, v14;
	v14 =	vld [tilespmem:s12+$0x0]  }
0x1ea: {  	[tilespmem:v17+s26+$0x0] =	vst.idx.msk $0xffff, v11;
	v17 =	vadd.s32 v0, v10;
	v11 =	vand.u32 $0x7E, v16;
	v16 =	vadd.f32 v18, v9;
	v18 =	vld [tilespmem:s15+$0xFFFFFFE0]  }
0x1eb: {  	[tilespmem:v21+s26+$0x0] =	vst.idx.msk $0xffff, v15;
	v15 =	vadd.s32 v0, v11;
	v21 =	vld [tilespmem:s15+$0x20];
	v22 =	vadd.f32 v22, v5  }
0x1ec: {  	v23 =	vadd.f32 v23, v9;
	[tilespmem:v24+s26+$0x0] =	vst.idx.msk $0xffff, v16;
	v16 =	vld [tilespmem:s15+$0xFFFFFFA0];
	v24 =	vadd.s32 v2, v19  }
0x1ed: {  	v29 =	vadd.s32 v2, v20;
	v25 =	vadd.f32 v25, v9;
	v28 =	vld [tilespmem:s12+$0x50];
	[tilespmem:v26+s26+$0x0] =	vst.idx.msk $0xffff, v22  }
0x1ee: {  	[tilespmem:v27+s26+$0x0] =	vst.idx.msk $0xffff, v23;
	v23 =	vadd.s32 v2, v12;
	v14 =	vadd.f32 v14, v9;
	v26 =	vld [tilespmem:s15+$0x70]  }
0x1ef: {  	v27 =	vld [tilespmem:s12+$0xFFFFFF90];
	[tilespmem:v17+s26+$0x0] =	vst.idx.msk $0xffff, v25;
	v25 =	vadd.s32 v1, v7;
	v18 =	vadd.f32 v18, v5  }
0x1f0: {  	v31 =	vadd.s32 v3, v13;
	v30 =	vld [tilespmem:s12+$0xFFFFFFD0];
	[tilespmem:v15+s26+$0x0] =	vst.idx.msk $0xffff, v14;
	v14 =	vadd.f32 v21, v5  }
0x1f1: {  	v22 =	vadd.s32 v1, v8;
	v17 =	vld [tilespmem:s12+$0x10];
	v13 =	vadd.f32 v16, v5;
	[tilespmem:v24+s26+$0x0] =	vst.idx.msk $0xffff, v18  }
0x1f2: {  	s14 =	simm.s32 $0x8;
	v21 =	vadd.s32 v1, v10;
	[tilespmem:v29+s26+$0x0] =	vst.idx.msk $0xffff, v14;
	v18 =	vadd.f32 v28, v6;
	v16 =	vld [tilespmem:s15+$0xFFFFFFF0]  }
0x1f3: {  	v24 =	vmov s14;
	v14 =	vadd.s32 v1, v11;
	v15 =	vld [tilespmem:s15+$0x30];
	[tilespmem:v23+s26+$0x0] =	vst.idx.msk $0xffff, v13;
	v63 =	vadd.f32 v26, v4  }
0x1f4: {  	s17 =	simm.s32 $0xB;
	s13 =	simm.s32 $0xF880;
	v19 =	vadd.s32 v3, v19;
	v13 =	vand.u32 $0x7C, v24;
	v24 =	vadd.f32 v27, v6;
	[tilespmem:v25+s26+$0x0] =	vst.idx.msk $0xffff, v18;
	v18 =	vld [tilespmem:s15+$0xFFFFFFB0]  }
0x1f5: {  	v20 =	vadd.s32 v3, v20;
	v26 =	vmov s17;
	v23 =	vld [tilespmem:s13+$0x40];
	s15 =	simm.s32 $0xC;
	v25 =	vadd.f32 v30, v6;
	[tilespmem:v31+s26+$0x0] =	vst.idx.msk $0xffff, v63  }
.LBB2_15:
0x1f6: {  	p0 =	slt.u32 s15, $0x7C;
	s5 =	sadd.s32 $0x1, s14;
	v26 =	vand.u32 $0x7F, v26;
	[tilespmem:v22+s26+$0x0] =	vst.idx.msk $0xffff, v24;
	v17 =	vadd.f32 v17, v6;
	v22 =	vld [tilespmem:s12+$0x60];
	v24 =	vadd.s32 v3, v12  }
0x1f7: {  	v30 =	vmovc v11;
	v27 =	vld [tilespmem:s13+$0xFFFFFF80];
	v28 =	vmov s5;
	s5 =	sadd.s32 $0x2, s14;
	v29 =	vadd.s32 v0, v26;
	[tilespmem:v21+s26+$0x0] =	vst.idx.msk $0xffff, v25;
	v16 =	vadd.f32 v16, v4;
	s14 =	smov.u32 s15  }
0x1f8: {  	v12 =	vmovc v8;
	v21 =	vld [tilespmem:s13+$0xFFFFFFC0];
	v11 =	vmov s5;
	[tilespmem:v14+s26+$0x0] =	vst.idx.msk $0xffff, v17;
	v14 =	vadd.s32 v2, v7;
	v15 =	vadd.f32 v15, v4  }
0x1f9: {  	v17 =	vadd.s32 v0, v13;
	v28 =	vand.u32 $0x7D, v28;
	v25 =	vld [tilespmem:s13+$0x0];
	v31 =	vadd.f32 v18, v4;
	[tilespmem:v19+s26+$0x0] =	vst.idx.msk $0xffff, v16  }
0x1fa: {  	v16 =	vadd.s32 v0, v28;
	v11 =	vand.u32 $0x7E, v11;
	v18 =	vadd.f32 v23, v9;
	v19 =	vld [tilespmem:s12+$0xFFFFFFE0];
	[tilespmem:v20+s26+$0x0] =	vst.idx.msk $0xffff, v15  }
0x1fb: {  	v8 =	vmov v13;
	v15 =	vadd.s32 v0, v11;
	v20 =	vld [tilespmem:s12+$0x20];
	v22 =	vadd.f32 v22, v5;
	[tilespmem:v24+s26+$0x0] =	vst.idx.msk $0xffff, v31  }
0x1fc: {  	v23 =	vadd.s32 v2, v10;
	v13 =	vadd.f32 v27, v9;
	[tilespmem:v29+s26+$0x0] =	vst.idx.msk $0xffff, v18;
	v18 =	vld [tilespmem:s12+$0xFFFFFFA0]  }
0x1fd: {  	v27 =	vadd.s32 v2, v30;
	v21 =	vadd.f32 v21, v9;
	v24 =	vld [tilespmem:s13+$0x50];
	[tilespmem:v14+s26+$0x0] =	vst.idx.msk $0xffff, v22  }
0x1fe: {  	[tilespmem:v17+s26+$0x0] =	vst.idx.msk $0xffff, v13;
	v13 =	vadd.f32 v25, v9;
	v25 =	vadd.s32 v2, v12;
	v29 =	vld [tilespmem:s12+$0x70]  }
0x1ff: {  	v32 =	vadd.s32 v1, v26;
	v31 =	vld [tilespmem:s13+$0xFFFFFF90];
	[tilespmem:v16+s26+$0x0] =	vst.idx.msk $0xffff, v21;
	v14 =	vadd.f32 v19, v5  }
0x200: {  	v34 =	vadd.s32 v3, v7;
	v7 =	vmov v26;
	v33 =	vld [tilespmem:s13+$0xFFFFFFD0];
	[tilespmem:v15+s26+$0x0] =	vst.idx.msk $0xffff, v13;
	v13 =	vadd.f32 v20, v5  }
.Ltmp8:
0x201: {  	v22 =	vadd.s32 v1, v8;
	v17 =	vld [tilespmem:s13+$0x10];
	v15 =	vadd.f32 v18, v5;
	[tilespmem:v23+s26+$0x0] =	vst.idx.msk $0xffff, v14;
	(pc) =	sbr.rel @p0 .LBB2_15-.Ltmp8, $4  }
0x202: {  	v21 =	vadd.s32 v1, v28;
	v18 =	vadd.f32 v24, v6;
	v16 =	vld [tilespmem:s12+$0xFFFFFFF0];
	[tilespmem:v27+s26+$0x0] =	vst.idx.msk $0xffff, v13  }
0x203: {  	v14 =	vadd.s32 v1, v11;
	v13 =	vmov s15;
	[tilespmem:v25+s26+$0x0] =	vst.idx.msk $0xffff, v15;
	v15 =	vld [tilespmem:s12+$0x30];
	v27 =	vadd.f32 v29, v4  }
0x204: {  	s5 =	sadd.s32 $0x3, s15;
	v19 =	vadd.s32 v3, v10;
	v13 =	vand.u32 $0x7C, v13;
	v24 =	vadd.f32 v31, v6;
	[tilespmem:v32+s26+$0x0] =	vst.idx.msk $0xffff, v18;
	v18 =	vld [tilespmem:s12+$0xFFFFFFB0];
	s12 =	smov.u32 s13;
	s13 =	sadd.s32 $0x100, s13  }
0x205: {  	v26 =	vmov s5;
	v10 =	vmovc v28;
	v20 =	vadd.s32 v3, v30;
	s15 =	sadd.s32 $0x4, s15;
	v23 =	vld [tilespmem:s13+$0x40];
	v25 =	vadd.f32 v33, v6;
	[tilespmem:v34+s26+$0x0] =	vst.idx.msk $0xffff, v27  }
0x206: {  	s5 =	sadd.s32 $0x1, s14  }
0x207: {  	v26 =	vand.u32 $0x7F, v26;
	s6 =	sadd.s32 $0x2, s14;
	v28 =	vld [tilespmem:s13+$0xFFFFFFC0];
	v27 =	vmov s5  }
0x208: {  	v31 =	vld [tilespmem:s13+$0x0];
	v29 =	vadd.s32 v0, v26;
	v30 =	vmov s6;
	v27 =	vand.u32 $0x7D, v27  }
0x209: {  	v32 =	vld [tilespmem:s13+$0xFFFFFF80];
	v30 =	vand.u32 $0x7E, v30;
	v33 =	vadd.s32 v0, v27  }
0x20a: {  	v34 =	vadd.s32 v0, v30  }
0x20b: {  	[tilespmem:v22+s26+$0x0] =	vst.idx.msk $0xffff, v24;
	v44 =	vadd.s32 v0, v13;
	v23 =	vadd.f32 v23, v9  }
0x20c: {  	[tilespmem:v21+s26+$0x0] =	vst.idx.msk $0xffff, v25;
	v45 =	vadd.f32 v28, v9  }
0x20d: {  	v46 =	vadd.f32 v31, v9;
	[tilespmem:v29+s26+$0x0] =	vst.idx.msk $0xffff, v23  }
0x20e: {  	v47 =	vadd.f32 v32, v9;
	v48 =	vld [tilespmem:s13+$0x50];
	[tilespmem:v33+s26+$0x0] =	vst.idx.msk $0xffff, v45  }
0x20f: {  	v17 =	vadd.f32 v17, v6;
	v12 =	vadd.s32 v3, v12;
	[tilespmem:v34+s26+$0x0] =	vst.idx.msk $0xffff, v46;
	v21 =	vld [tilespmem:s13+$0xFFFFFFD0]  }
0x210: {  	v16 =	vadd.f32 v16, v4;
	v49 =	vadd.s32 v1, v26;
	[tilespmem:v44+s26+$0x0] =	vst.idx.msk $0xffff, v47;
	v50 =	vld [tilespmem:s13+$0x10]  }
0x211: {  	[tilespmem:v14+s26+$0x0] =	vst.idx.msk $0xffff, v17;
	v51 =	vadd.f32 v15, v4;
	v53 =	vadd.s32 v1, v27;
	v52 =	vld [tilespmem:s13+$0xFFFFFF90]  }
0x212: {  	v54 =	vld [tilespmem:s12+$0x60];
	v18 =	vadd.f32 v18, v4;
	[tilespmem:v19+s26+$0x0] =	vst.idx.msk $0xffff, v16;
	v55 =	vadd.s32 v1, v30  }
0x213: {  	v57 =	vadd.s32 v1, v13;
	v60 =	vld [tilespmem:s12+$0x20];
	[tilespmem:v20+s26+$0x0] =	vst.idx.msk $0xffff, v51;
	v58 =	vadd.f32 v48, v6  }
0x214: {  	v59 =	vadd.s32 v2, v7;
	v56 =	vld [tilespmem:s12+$0xFFFFFFE0];
	[tilespmem:v12+s26+$0x0] =	vst.idx.msk $0xffff, v18;
	v61 =	vadd.f32 v21, v6  }
0x215: {  	v62 =	vld [tilespmem:s12+$0xFFFFFFA0];
	v29 =	vadd.s32 v2, v11;
	[tilespmem:v49+s26+$0x0] =	vst.idx.msk $0xffff, v58;
	v28 =	vadd.f32 v50, v6  }
0x216: {  	v63 =	vadd.s32 v2, v10;
	v31 =	vadd.f32 v52, v6;
	v32 =	vld [tilespmem:s13+$0x60];
	[tilespmem:v53+s26+$0x0] =	vst.idx.msk $0xffff, v61  }
0x217: {  	v33 =	vadd.f32 v54, v5;
	v34 =	vadd.s32 v2, v8;
	[tilespmem:v55+s26+$0x0] =	vst.idx.msk $0xffff, v28;
	v35 =	vld [tilespmem:s13+$0xFFFFFFE0]  }
0x218: {  	v37 =	vadd.s32 v2, v26;
	v39 =	vadd.f32 v60, v5;
	[tilespmem:v57+s26+$0x0] =	vst.idx.msk $0xffff, v31;
	v38 =	vld [tilespmem:s13+$0x20]  }
0x219: {  	v41 =	vadd.s32 v2, v27;
	v36 =	vadd.f32 v56, v5;
	[tilespmem:v59+s26+$0x0] =	vst.idx.msk $0xffff, v33;
	v40 =	vld [tilespmem:s13+$0xFFFFFFA0]  }
0x21a: {  	v43 =	vadd.s32 v2, v30;
	v18 =	vadd.f32 v62, v5;
	v42 =	vld [tilespmem:s12+$0x70];
	[tilespmem:v29+s26+$0x0] =	vst.idx.msk $0xffff, v39  }
0x21b: {  	v45 =	vadd.s32 v2, v13;
	[tilespmem:v63+s26+$0x0] =	vst.idx.msk $0xffff, v36;
	v47 =	vld [tilespmem:s12+$0x30];
	v44 =	vadd.f32 v32, v5  }
0x21c: {  	v46 =	vadd.s32 v3, v7;
	[tilespmem:v34+s26+$0x0] =	vst.idx.msk $0xffff, v18;
	v21 =	vld [tilespmem:s12+$0xFFFFFFF0];
	v9 =	vadd.f32 v35, v5  }
0x21d: {  	v18 =	vld [tilespmem:s12+$0xFFFFFFB0];
	v50 =	vadd.s32 v3, v11;
	[tilespmem:v37+s26+$0x0] =	vst.idx.msk $0xffff, v44;
	v49 =	vadd.f32 v38, v5  }
0x21e: {  	v48 =	vadd.s32 v3, v10;
	v5 =	vadd.f32 v40, v5;
	v12 =	vld [tilespmem:s13+$0x70];
	[tilespmem:v41+s26+$0x0] =	vst.idx.msk $0xffff, v9  }
0x21f: {  	v52 =	vadd.s32 v3, v8;
	v51 =	vadd.f32 v42, v4;
	[tilespmem:v43+s26+$0x0] =	vst.idx.msk $0xffff, v49;
	v53 =	vld [tilespmem:s13+$0xFFFFFFF0]  }
0x220: {  	v55 =	vadd.s32 v3, v26;
	v56 =	vadd.f32 v47, v4;
	[tilespmem:v45+s26+$0x0] =	vst.idx.msk $0xffff, v5;
	v5 =	vld [tilespmem:s13+$0x30]  }
0x221: {  	v58 =	vadd.s32 v3, v27;
	[tilespmem:v46+s26+$0x0] =	vst.idx.msk $0xffff, v51;
	v54 =	vadd.f32 v21, v4;
	v57 =	vld [tilespmem:s13+$0xFFFFFFB0]  }
0x222: {  	v60 =	vadd.s32 v3, v30;
	v59 =	vadd.f32 v18, v4;
	[tilespmem:v50+s26+$0x0] =	vst.idx.msk $0xffff, v56  }
0x223: {  	v62 =	vadd.s32 v3, v13;
	[tilespmem:v48+s26+$0x0] =	vst.idx.msk $0xffff, v54;
	v61 =	vadd.f32 v12, v4  }
0x224: {  	[tilespmem:v52+s26+$0x0] =	vst.idx.msk $0xffff, v59;
	v63 =	vadd.f32 v53, v4  }
0x225: {  	s9 =	sshll.u32 s9, $0x12;
	[tilespmem:v55+s26+$0x0] =	vst.idx.msk $0xffff, v61;
	v5 =	vadd.f32 v5, v4  }
0x226: {  	s5 =	sor.u32 s7, s9;
	v4 =	vadd.f32 v57, v4;
	[tilespmem:v58+s26+$0x0] =	vst.idx.msk $0xffff, v63  }
0x227: {  	s5 =	sshrl.u32 s5, $0x3;
	[tilespmem:v60+s26+$0x0] =	vst.idx.msk $0xffff, v5  }
0x228: {  	s6 =	simm.s32 $0x17C00;
	s5 =	sadd.s32 s2, s5;
	[tilespmem:v62+s26+$0x0] =	vst.idx.msk $0xffff, v4  }
0x229: {  	[hbm4b:s5+s3] =	stream.linear.scatter [tilespmem:s6], [sflag:$0x8], $0x80, $0x38;
	[tilespmem:$0x19E00] =	vst v63  }
0x22a: {  	s12 =	simm.s32 $0x17C88;
	s13 =	sadd.s32 $0x10, s5  }
0x22b: {  	[hbm4b:s13+s3] =	stream.linear.scatter [tilespmem:s12], [sflag:$0x8], $0x80, $0x38;
	[tilespmem:$0x19E00] =	vst v63  }
0x22c: {  	s14 =	simm.s32 $0x17D10;
	s16 =	simm.s32 $0x17D98;
	s15 =	sadd.s32 $0x20, s5  }
0x22d: {  	[hbm4b:s15+s3] =	stream.linear.scatter [tilespmem:s14], [sflag:$0x8], $0x80, $0x38;
	[tilespmem:$0x19E00] =	vst v63  }
0x22e: {  	s9 =	simm.s32 $0x440;
	s17 =	sadd.s32 $0x30, s5;
	s12 =	simm.s32 $0x17E20  }
0x22f: {  	[hbm4b:s17+s3] =	stream.linear.scatter [tilespmem:s16], [sflag:$0x8], $0x80, $0x38;
	[tilespmem:$0x19E00] =	vst v63  }
0x230: {  	s13 =	sadd.s32 $0x40, s5;
	s14 =	simm.s32 $0x17EA8;
	s15 =	sadd.s32 $0x50, s5  }
0x231: {  	[hbm4b:s13+s3] =	stream.linear.scatter [tilespmem:s12], [sflag:$0x8], $0x80, $0x38;
	[tilespmem:$0x19E00] =	vst v63  }
0x232: {  	s16 =	simm.s32 $0x17F30;
	s17 =	sadd.s32 $0x60, s5;
	s13 =	simm.s32 $0x2200  }
0x233: {  	[hbm4b:s15+s3] =	stream.linear.scatter [tilespmem:s14], [sflag:$0x8], $0x80, $0x38;
	[tilespmem:$0x19E00] =	vst v63  }
0x234: {  	s12 =	sadd.s32 $0x1000, s5;
	s14 =	simm.s32 $0x17FB8;
	s15 =	sadd.s32 $0x70, s5  }
0x235: {  	[hbm4b:s17+s3] =	stream.linear.scatter [tilespmem:s16], [sflag:$0x8], $0x80, $0x38;
	[tilespmem:$0x19E00] =	vst v63  }
.LBB2_17:
0x236: {  	[hbm4b:s15+s3] =	stream.linear.scatter [tilespmem:s14], [sflag:$0x8], $0x80, $0x38;
	[tilespmem:$0x19E00] =	vst v63  }
0x237: {  	s5 =	smov.u32 s9;
	s6 =	smov.u32 s13  }
0x238: {  	s9 =	sshra.s32 s6, $0x2;
	s6 =	sadd.s32 $0x1100, s13;
	s14 =	sadd.s32 $0x17C00, s5  }
0x239: {  	[hbm4b:s12+s3] =	stream.linear.scatter [tilespmem:s14], [sflag:$0x8], $0x80, $0x38;
	[tilespmem:$0x19E00] =	vst v63  }
0x23a: {  	p0 =	sne.s32 s13, $0x7700;
	s13 =	sadd.s32 $0x17C88, s5;
	s14 =	sadd.s32 $0x10, s12  }
0x23b: {  	[hbm4b:s14+s3] =	stream.linear.scatter [tilespmem:s13], [sflag:$0x8], $0x80, $0x38;
	[tilespmem:$0x19E00] =	vst v63  }
0x23c: {  	s13 =	sadd.s32 $0x17D10, s5;
	s14 =	sadd.s32 $0x20, s12  }
0x23d: {  	[hbm4b:s14+s3] =	stream.linear.scatter [tilespmem:s13], [sflag:$0x8], $0x80, $0x38;
	[tilespmem:$0x19E00] =	vst v63  }
0x23e: {  	s13 =	sadd.s32 $0x17D98, s5;
	s14 =	sadd.s32 $0x30, s12  }
0x23f: {  	[hbm4b:s14+s3] =	stream.linear.scatter [tilespmem:s13], [sflag:$0x8], $0x80, $0x38;
	[tilespmem:$0x19E00] =	vst v63  }
0x240: {  	s13 =	sadd.s32 $0x17E20, s5;
	s14 =	sadd.s32 $0x40, s12  }
0x241: {  	[hbm4b:s14+s3] =	stream.linear.scatter [tilespmem:s13], [sflag:$0x8], $0x80, $0x38;
	[tilespmem:$0x19E00] =	vst v63  }
.Ltmp9:
0x242: {  	s13 =	sadd.s32 $0x17EA8, s5;
	s14 =	sadd.s32 $0x50, s12;
	(pc) =	sbr.rel @p0 .LBB2_17-.Ltmp9, $4  }
0x243: {  	[hbm4b:s14+s3] =	stream.linear.scatter [tilespmem:s13], [sflag:$0x8], $0x80, $0x38;
	[tilespmem:$0x19E00] =	vst v63  }
0x244: {  	s15 =	sadd.s32 $0x70, s12;
	s13 =	sadd.s32 $0x17F30, s5;
	s14 =	sadd.s32 $0x60, s12  }
0x245: {  	[hbm4b:s14+s3] =	stream.linear.scatter [tilespmem:s13], [sflag:$0x8], $0x80, $0x38;
	[tilespmem:$0x19E00] =	vst v63  }
0x246: {  	s12 =	sadd.s32 $0x1000, s12;
	s14 =	sadd.s32 $0x17FB8, s5;
	s13 =	smov.u32 s6  }
0x247: {  	[hbm4b:s15+s3] =	stream.linear.scatter [tilespmem:s14], [sflag:$0x8], $0x80, $0x38;
	[tilespmem:$0x19E00] =	vst v63  }
0x248: {  	s5 =	sadd.s32 $0x17C00, s9  }
0x249: {  	[hbm4b:s12+s3] =	stream.linear.scatter [tilespmem:s5], [sflag:$0x8], $0x80, $0x38;
	[tilespmem:$0x19E00] =	vst v63  }
0x24a: {  	s17 =	sadd.s32 $0x17C88, s9;
	s6 =	sadd.s32 $0x10, s12  }
0x24b: {  	[hbm4b:s6+s3] =	stream.linear.scatter [tilespmem:s17], [sflag:$0x8], $0x80, $0x38;
	[tilespmem:$0x19E00] =	vst v63  }
0x24c: {  	s13 =	sadd.s32 $0x20, s12;
	s6 =	sadd.s32 $0x17D10, s9  }
0x24d: {  	[hbm4b:s13+s3] =	stream.linear.scatter [tilespmem:s6], [sflag:$0x8], $0x80, $0x38;
	[tilespmem:$0x19E00] =	vst v63  }
0x24e: {  	s14 =	sadd.s32 $0x17D98, s9;
	s15 =	sadd.s32 $0x30, s12  }
0x24f: {  	[hbm4b:s15+s3] =	stream.linear.scatter [tilespmem:s14], [sflag:$0x8], $0x80, $0x38;
	[tilespmem:$0x19E00] =	vst v63  }
0x250: {  	s16 =	sadd.s32 $0x17E20, s9;
	s17 =	sadd.s32 $0x40, s12  }
0x251: {  	[hbm4b:s17+s3] =	stream.linear.scatter [tilespmem:s16], [sflag:$0x8], $0x80, $0x38;
	[tilespmem:$0x19E00] =	vst v63  }
0x252: {  	s6 =	sadd.s32 $0x17EA8, s9;
	s13 =	sadd.s32 $0x50, s12  }
0x253: {  	[hbm4b:s13+s3] =	stream.linear.scatter [tilespmem:s6], [sflag:$0x8], $0x80, $0x38;
	[tilespmem:$0x19E00] =	vst v63  }
.Ltmp10:
0x254: {  	_ = 	snop;
	(pc) =	sbr.rel @p1 .LBB2_20-.Ltmp10, $4  }
0x255: {  	s14 =	sadd.s32 $0x17F30, s9;
	s15 =	sadd.s32 $0x60, s12  }
0x256: {  	[hbm4b:s15+s3] =	stream.linear.scatter [tilespmem:s14], [sflag:$0x8], $0x80, $0x38;
	[tilespmem:$0x19E00] =	vst v63  }
0x257: {  	s16 =	sadd.s32 $0x17FB8, s9;
	s17 =	sadd.s32 $0x70, s12  }
0x258: {  	[hbm4b:s17+s3] =	stream.linear.scatter [tilespmem:s16], [sflag:$0x8], $0x80, $0x38;
	[tilespmem:$0x19E00] =	vst v63  }
.Ltmp11:
0x259: {  	(pc) =	sbr.rel .LBB2_2-.Ltmp11, $4  }
0x25a: {  	s5 =	sshll.u32 s0, $0x9  }
0x25b: {  	s5 =	sand.u32 $0x3FFFFE00, s5  }
0x25c: {  	s0 =	sadd.s32 $0x1, s0;
	s5 =	sadd.s32 $0x380, s5  }
0x25d: {  	[tilespmem:s18], [sflag:$0x4] =	stream.indirect.gather [hbm4b:s4+s11], $0x40, s5, s11, $0xb8;
	[tilespmem:$0x19E00] =	vst v63  }
.LBB2_21:
0x25e: {  	_ =	sfence.sel $0x180000  }
0x25f: {  	[bflag:$0x0] =	sbarrier.arrive $0xFFFF  }
0x260: {  	_ =	strace $0x90000047  }
0x261: {  	s0 =	stileid.u32;
	[bflag:$0x2] =	sbarrier.arrive $0xFFFF  }
0x262: {  	p0 =	sne.s32 s0, $0x0;
	s0 =	rddreg [dreg:$0x2]  }
0x263: {  	s0 =	sadd.s32 @!p0 $0x100000, s0  }
0x264: {  	[sflag:s0] =	ssyncadd.tile.s32 @!p0 $0x1;
	_ =	shalt  }
.Lfunc_end2:
_tile_overlayer_lowered:
.L_overlay_start_2:
0x265: {  	(tag) =	ssettag $0x2  }
0x266: {  	s0 =	rddreg [dreg:$0x0];
	s2 =	stileid.u32  }
0x267: {  	s1 =	rddreg [dreg:$0x1];
	p0 =	sne.s32 s2, $0x0  }
0x268: {  	s3 =	rddreg [dreg:$0x2];
	[bflag:$0x3] =	sbarrier.arrive $0xFFFF;
	s2 =	simm.s32 @!p0 $0x1C09  }
0x269: {  	[timem:s3], [sflag:s2] =	dma.local @!p0 [hbm:s0], s1  }
0x26a: {  	s0 =	simm.s32 @!p0 $0x9  }
0x26b: {  	_ =	swait.ge @!p0 [sflag:s0], s1  }
0x26c: {  	s1 =	ssub.s32 @!p0 $0x0, s1;
	[sflag:s0] =	ssyncset.done @!p0 $0x0  }
0x26d: {  	[sflag:s0] =	ssyncadd.s32 @!p0 s1  }
0x26e: {  	[bflag:$0x3] =	sbarrier.arrive $0xFFFF  }
0x26f: {  	_ =	shalt  }

</sc_bundles>
